<compile_context>
chip_gen: v7x
topology: tpu7x:2x2x1
jax: 0.10.2.dev20260603
libtpu: 0.0.44.dev20260713+nightly
codegen_flags: <defaults>
</compile_context>

<pallas_src>
import functools

import jax
import jax.numpy as jnp
from jax import lax
from jax.experimental import pallas as pl
from jax.experimental.pallas import tpu as pltpu
from jax.experimental.pallas import tpu_sc as plsc

_VOCAB = 1000000
_EMB = 64
_HID = 128
_OUT = 128
_BATCH = 16384
_BN_EPS = 1e-3

_B_TOT = 3 * _BATCH

_NC = 2
_NS = 16
_NW = _NC * _NS
_B_PER_W = _B_TOT // _NW
_CHUNK = 128
_N_CHUNK = _B_PER_W // _CHUNK
_NBUF = 4

_CB = 2048
_TGRID = 245
_HH = _CB * _TGRID
_TAIL = 999424
_TAILN = _VOCAB - _TAIL
_YCLAMP = _VOCAB // _CB - 1

_MLP_BLK = 2048


def _tr_body(x_ref, y_ref, eye_ref, o_ref):
    e = eye_ref[...]
    dims = (((0,), (0,)), ((), ()))
    xt = lax.dot_general(x_ref[...], e, dims,
                         preferred_element_type=jnp.float32)
    yt = lax.dot_general(y_ref[...], e, dims,
                         preferred_element_type=jnp.float32)
    o_ref[...] = jnp.concatenate([xt, yt], axis=1)


def _tc_pair_transpose(tt):
    return pl.pallas_call(
        _tr_body,
        grid=(_TGRID,),
        in_specs=[
            pl.BlockSpec((_EMB, _CB), lambda i: (0, i)),
            pl.BlockSpec(
                (_EMB, _CB),
                lambda i: (0, jnp.minimum(_TGRID + i, _YCLAMP))),
            pl.BlockSpec((_EMB, _EMB), lambda i: (0, 0)),
        ],
        out_specs=pl.BlockSpec((_CB, 2 * _EMB), lambda i: (i, 0)),
        out_shape=jax.ShapeDtypeStruct((_HH, 2 * _EMB), jnp.float32),
    )(tt, tt, jnp.eye(_EMB, dtype=jnp.float32))


def _sc_gather(t2, idx_pair):
    mesh = plsc.VectorSubcoreMesh(core_axis_name="c", subcore_axis_name="s")

    @functools.partial(
        pl.kernel,
        mesh=mesh,
        out_type=jax.ShapeDtypeStruct((_B_TOT, 2 * _EMB), jnp.float32),
        scratch_types=[
            pltpu.VMEM((_N_CHUNK, _CHUNK), jnp.int32),
            pltpu.VMEM((_NBUF, _CHUNK, 2 * _EMB), jnp.float32),
            pltpu.SemaphoreType.DMA((_NBUF,)),
            pltpu.SemaphoreType.DMA((_NBUF,)),
        ],
        compiler_params=pltpu.CompilerParams(needs_layout_passes=False),
    )
    def gather_kernel(t2_hbm, idx_hbm, out_hbm, idx_v, rows_v, gsem, wsem):
        wid = lax.axis_index("s") * _NC + lax.axis_index("c")
        base = wid * _B_PER_W
        pltpu.sync_copy(idx_hbm.at[wid], idx_v)

        def fire(j):
            return pltpu.async_copy(
                t2_hbm.at[idx_v.at[j]], rows_v.at[j % _NBUF],
                gsem.at[j % _NBUF])

        copies = [None] * _N_CHUNK
        writes = [None] * _N_CHUNK
        copies[0] = fire(0)
        for j in range(_N_CHUNK):
            b = j % _NBUF
            if j + 1 - _NBUF >= 0:
                writes[j + 1 - _NBUF].wait()
            if j + 1 < _N_CHUNK:
                copies[j + 1] = fire(j + 1)
            copies[j].wait()
            writes[j] = pltpu.async_copy(
                rows_v.at[b],
                out_hbm.at[pl.ds(base + j * _CHUNK, _CHUNK)],
                wsem.at[b])
        for j in range(_N_CHUNK - _NBUF + 1, _N_CHUNK):
            writes[j].wait()

    return gather_kernel(t2, idx_pair)


def _mlp_body(pr_ref, idx_ref, tail_ref, w1_ref, b1_ref, s_ref, t_ref,
              w2_ref, b2_ref, o_ref):
    pr = pr_ref[...]
    idx = idx_ref[...]
    x = jnp.where(idx >= _HH, pr[:, _EMB:], pr[:, :_EMB])
    t = idx - _TAIL
    oh = (t == lax.broadcasted_iota(jnp.int32, (_MLP_BLK, _TAILN), 1))
    xfix = jnp.dot(oh.astype(jnp.float32), tail_ref[...],
                   preferred_element_type=jnp.float32)
    x = jnp.where(t >= 0, xfix, x)
    h = jnp.dot(x, w1_ref[...], preferred_element_type=jnp.float32)
    h = jnp.maximum(h + b1_ref[...], 0.0)
    h = h * s_ref[...] + t_ref[...]
    o_ref[...] = (
        jnp.dot(h, w2_ref[...], preferred_element_type=jnp.float32) + b2_ref[...]
    )


def _tc_mlp(pr, idxc, tail, W1, b1, scale, shift, W2, b2):
    grid = (_B_TOT // _MLP_BLK,)
    return pl.pallas_call(
        _mlp_body,
        grid=grid,
        in_specs=[
            pl.BlockSpec((_MLP_BLK, 2 * _EMB), lambda i: (i, 0)),
            pl.BlockSpec((_MLP_BLK, 1), lambda i: (i, 0)),
            pl.BlockSpec((_TAILN, _EMB), lambda i: (0, 0)),
            pl.BlockSpec((_EMB, _HID), lambda i: (0, 0)),
            pl.BlockSpec((1, _HID), lambda i: (0, 0)),
            pl.BlockSpec((1, _HID), lambda i: (0, 0)),
            pl.BlockSpec((1, _HID), lambda i: (0, 0)),
            pl.BlockSpec((_HID, _OUT), lambda i: (0, 0)),
            pl.BlockSpec((1, _OUT), lambda i: (0, 0)),
        ],
        out_specs=pl.BlockSpec((_MLP_BLK, _OUT), lambda i: (i, 0)),
        out_shape=jax.ShapeDtypeStruct((_B_TOT, _OUT), jnp.float32),
    )(pr, idxc, tail, W1, b1, scale, shift, W2, b2)


def kernel(anchor, positive, negative, table, W1, b1, gamma, beta,
           moving_mean, moving_var, W2, b2):
    idx = jnp.concatenate([anchor, positive, negative]).astype(jnp.int32)
    idx_pair = jnp.where(idx >= _HH, idx - _HH, idx).reshape(
        _NW, _N_CHUNK, _CHUNK)
    tail = lax.slice(table, (_TAIL, 0), (_VOCAB, _EMB))

    t2 = _tc_pair_transpose(table.T)
    pr = _sc_gather(t2, idx_pair)

    scale = gamma * lax.rsqrt(moving_var + _BN_EPS)
    shift = beta - moving_mean * scale
    out = _tc_mlp(
        pr,
        idx.reshape(_B_TOT, 1),
        tail,
        W1,
        b1.reshape(1, _HID),
        scale.reshape(1, _HID),
        shift.reshape(1, _HID),
        W2,
        b2.reshape(1, _OUT),
    )
    return (out[:_BATCH], out[_BATCH:2 * _BATCH], out[2 * _BATCH:])

# --- scband reference (transcript-rebuilt; emitter-appended) ---
"""Pipeline reference for scband-neural-model-32066225832252 (READ-ONLY COPY).

The authoritative reference and input builder live on the scoring server;
editing this copy changes nothing except your own understanding.
"""

import jax, jax.numpy as jnp
import numpy as np

VOCAB = 1000000
EMB = 64
HID = 128
OUT = 128
BATCH = 16384
BN_EPS = 1e-3


def setup_inputs(seed: int = 0) -> dict:
    key = jax.random.key(seed)
    ks = jax.random.split(key, 10)
    anchor = jax.random.randint(ks[0], (BATCH,), 0, VOCAB, dtype=jnp.int64 if jax.config.jax_enable_x64 else jnp.int32)
    positive = jax.random.randint(ks[1], (BATCH,), 0, VOCAB, dtype=jnp.int64 if jax.config.jax_enable_x64 else jnp.int32)
    negative = jax.random.randint(ks[2], (BATCH,), 0, VOCAB, dtype=jnp.int64 if jax.config.jax_enable_x64 else jnp.int32)
    table = jax.random.normal(ks[3], (VOCAB, EMB), dtype=jnp.float32) * 0.05
    W1 = jax.random.normal(ks[4], (EMB, HID), dtype=jnp.float32) * (1.0 / np.sqrt(EMB))
    b1 = jnp.zeros((HID,), dtype=jnp.float32)
    gamma = jnp.ones((HID,), dtype=jnp.float32)
    beta = jnp.zeros((HID,), dtype=jnp.float32)
    moving_mean = jnp.zeros((HID,), dtype=jnp.float32)
    moving_var = jnp.ones((HID,), dtype=jnp.float32)
    W2 = jax.random.normal(ks[5], (HID, OUT), dtype=jnp.float32) * (1.0 / np.sqrt(HID))
    b2 = jnp.zeros((OUT,), dtype=jnp.float32)
    return {
        "anchor": anchor,
        "positive": positive,
        "negative": negative,
        "table": table,
        "W1": W1,
        "b1": b1,
        "gamma": gamma,
        "beta": beta,
        "moving_mean": moving_mean,
        "moving_var": moving_var,
        "W2": W2,
        "b2": b2,
    }


def _network(x, W1, b1, gamma, beta, moving_mean, moving_var, W2, b2):
    # Dense(128, relu)
    h = jax.nn.relu(jnp.dot(x, W1) + b1)
    # BatchNormalization (inference mode: uses moving statistics)
    h = gamma * (h - moving_mean) / jnp.sqrt(moving_var + BN_EPS) + beta
    # Dropout(0.2) is identity at inference
    # Dense(128)
    return jnp.dot(h, W2) + b2


def reference(anchor, positive, negative, table, W1, b1, gamma, beta, moving_mean, moving_var, W2, b2):
    ea = jnp.take(table, anchor, axis=0)
    ep = jnp.take(table, positive, axis=0)
    en = jnp.take(table, negative, axis=0)
    oa = _network(ea, W1, b1, gamma, beta, moving_mean, moving_var, W2, b2)
    op = _network(ep, W1, b1, gamma, beta, moving_mean, moving_var, W2, b2)
    on = _network(en, W1, b1, gamma, beta, moving_mean, moving_var, W2, b2)
    return (oa, op, on)

if __name__ == "__main__":
    import jax
    _d = setup_inputs()
    print(jax.jit(kernel)(*tuple(_d.values())))

</pallas_src>

<mosaic_0001>
#map = affine_map<(d0, d1) -> (0, 0)>
#map1 = affine_map<(d0, d1) -> (0, 0, 0)>
module attributes {stable_mosaic.version = 14 : i64} {
  func.func @gather_kernel(%arg0: i32, %arg1: i32, %arg2: memref<501760x128xf32, #tpu.memory_space<hbm>>, %arg3: memref<32x12x128xi32, #tpu.memory_space<hbm>>, %arg4: memref<49152x128xf32, #tpu.memory_space<hbm>>, %arg5: memref<12x128xi32, #tpu.memory_space<vmem>>, %arg6: memref<4x128x128xf32, #tpu.memory_space<vmem>>, %arg7: memref<4x!tpu.dma_semaphore, #tpu.memory_space<semaphore_mem>>, %arg8: memref<4x!tpu.dma_semaphore, #tpu.memory_space<semaphore_mem>>) attributes {dimension_semantics = [#tpu.dimension_semantics<core_parallel>, #tpu.dimension_semantics<subcore_parallel>], iteration_bounds = array<i64: 2, 16>, scalar_prefetch = 0 : i64, scratch_operands = 4 : i64, tpu.core_type = #tpu.core_type<sc_vector_subcore>, window_params = [{transform_indices = #map}, {transform_indices = #map1}, {transform_indices = #map}]} {
    %mul3A = arith.constant 2 : i32
    %mul3A_0 = arith.muli %arg1, %mul3A : i32
    %add3A = arith.addi %mul3A_0, %arg0 : i32
    %mul3A_1 = arith.constant 1536 : i32
    %mul3A_2 = arith.muli %add3A, %mul3A_1 : i32
    "tpu.region"() ({
      %run_scoped3A = tpu.sem_alloc : memref<!tpu.dma_semaphore, #tpu.memory_space<semaphore_mem>>
      %dma_start3A_769 = arith.constant 0 : i32
      %dma_start3A_770 = arith.constant 0 : i32
      %dma_start3A_771 = tpu.memref_slice %arg3[%add3A, %dma_start3A_769, %dma_start3A_770] : memref<32x12x128xi32, #tpu.memory_space<hbm>> -> memref<1x12x128xi32, #tpu.memory_space<hbm>>
      %dma_start3A_772 = tpu.memref_squeeze %dma_start3A_771 : memref<1x12x128xi32, #tpu.memory_space<hbm>> -> memref<12x128xi32, #tpu.memory_space<hbm>>
      %dma_start3A_773 = arith.constant 0 : i32
      %dma_start3A_774 = arith.constant 0 : i32
      %dma_start3A_775 = tpu.memref_slice %arg3[%add3A, %dma_start3A_773, %dma_start3A_774] : memref<32x12x128xi32, #tpu.memory_space<hbm>> -> memref<1x12x128xi32, #tpu.memory_space<hbm>>
      %dma_start3A_776 = tpu.memref_squeeze %dma_start3A_775 : memref<1x12x128xi32, #tpu.memory_space<hbm>> -> memref<12x128xi32, #tpu.memory_space<hbm>>
      tpu.enqueue_dma source(%dma_start3A_776 : memref<12x128xi32, #tpu.memory_space<hbm>>) target(%arg5 : memref<12x128xi32, #tpu.memory_space<vmem>>) target_semaphore(%run_scoped3A : memref<!tpu.dma_semaphore, #tpu.memory_space<semaphore_mem>>)
      %dma_wait3A_777 = arith.constant 0 : i32
      %dma_wait3A_778 = arith.constant 0 : i32
      %dma_wait3A_779 = tpu.memref_slice %arg3[%add3A, %dma_wait3A_777, %dma_wait3A_778] : memref<32x12x128xi32, #tpu.memory_space<hbm>> -> memref<1x12x128xi32, #tpu.memory_space<hbm>>
      %dma_wait3A_780 = tpu.memref_squeeze %dma_wait3A_779 : memref<1x12x128xi32, #tpu.memory_space<hbm>> -> memref<12x128xi32, #tpu.memory_space<hbm>>
      %dma_wait3A_781 = arith.constant 0 : i32
      %dma_wait3A_782 = arith.constant 0 : i32
      %dma_wait3A_783 = tpu.memref_slice %arg3[%add3A, %dma_wait3A_781, %dma_wait3A_782] : memref<32x12x128xi32, #tpu.memory_space<hbm>> -> memref<1x12x128xi32, #tpu.memory_space<hbm>>
      %dma_wait3A_784 = tpu.memref_squeeze %dma_wait3A_783 : memref<1x12x128xi32, #tpu.memory_space<hbm>> -> memref<12x128xi32, #tpu.memory_space<hbm>>
      tpu.wait_dma2 semaphore(%run_scoped3A : memref<!tpu.dma_semaphore, #tpu.memory_space<semaphore_mem>>) src(%dma_wait3A_784 : memref<12x128xi32, #tpu.memory_space<hbm>>) dst(%arg5 : memref<12x128xi32, #tpu.memory_space<vmem>>)
      tpu.yield
    }) : () -> ()
    %dma_start3A = arith.constant 0 : i32
    %dma_start3A_3 = arith.constant 0 : i32
    %dma_start3A_4 = arith.constant 0 : i32
    %dma_start3A_5 = arith.constant 0 : i32
    %dma_start3A_6 = arith.constant 0 : i32
    %dma_start3A_7 = tpu.memref_slice %arg6[%dma_start3A_3, %dma_start3A_5, %dma_start3A_6] : memref<4x128x128xf32, #tpu.memory_space<vmem>> -> memref<1x128x128xf32, #tpu.memory_space<vmem>>
    %dma_start3A_8 = tpu.memref_squeeze %dma_start3A_7 : memref<1x128x128xf32, #tpu.memory_space<vmem>> -> memref<128x128xf32, #tpu.memory_space<vmem>>
    %dma_start3A_9 = arith.constant 0 : i32
    %dma_start3A_10 = tpu.memref_slice %arg5[%dma_start3A, %dma_start3A_9] : memref<12x128xi32, #tpu.memory_space<vmem>> -> memref<1x128xi32, #tpu.memory_space<vmem>>
    %dma_start3A_11 = tpu.memref_squeeze %dma_start3A_10 : memref<1x128xi32, #tpu.memory_space<vmem>> -> memref<128xi32, #tpu.memory_space<vmem>>
    %dma_start3A_12 = arith.constant 0 : i32
    %dma_start3A_13 = arith.constant 0 : i32
    %dma_start3A_14 = tpu.memref_slice %arg2[%dma_start3A_12, %dma_start3A_13] : memref<501760x128xf32, #tpu.memory_space<hbm>> -> memref<501760x128xf32, #tpu.memory_space<hbm>>
    %dma_start3A_15 = tpu.memref_slice %arg7[%dma_start3A_4] : memref<4x!tpu.dma_semaphore, #tpu.memory_space<semaphore_mem>> -> memref<1x!tpu.dma_semaphore, #tpu.memory_space<semaphore_mem>>
    %dma_start3A_16 = tpu.memref_squeeze %dma_start3A_15 : memref<1x!tpu.dma_semaphore, #tpu.memory_space<semaphore_mem>> -> memref<!tpu.dma_semaphore, #tpu.memory_space<semaphore_mem>>
    tpu.enqueue_indirect_dma source(%dma_start3A_14 : memref<501760x128xf32, #tpu.memory_space<hbm>>) target(%dma_start3A_8 : memref<128x128xf32, #tpu.memory_space<vmem>>) offsets(%dma_start3A_11 : memref<128xi32, #tpu.memory_space<vmem>>) semaphore(%dma_start3A_16 : memref<!tpu.dma_semaphore, #tpu.memory_space<semaphore_mem>>)
    %dma_start3A_17 = arith.constant 1 : i32
    %dma_start3A_18 = arith.constant 1 : i32
    %dma_start3A_19 = arith.constant 1 : i32
    %dma_start3A_20 = arith.constant 0 : i32
    %dma_start3A_21 = arith.constant 0 : i32
    %dma_start3A_22 = tpu.memref_slice %arg6[%dma_start3A_18, %dma_start3A_20, %dma_start3A_21] : memref<4x128x128xf32, #tpu.memory_space<vmem>> -> memref<1x128x128xf32, #tpu.memory_space<vmem>>
    %dma_start3A_23 = tpu.memref_squeeze %dma_start3A_22 : memref<1x128x128xf32, #tpu.memory_space<vmem>> -> memref<128x128xf32, #tpu.memory_space<vmem>>
    %dma_start3A_24 = arith.constant 0 : i32
    %dma_start3A_25 = tpu.memref_slice %arg5[%dma_start3A_17, %dma_start3A_24] : memref<12x128xi32, #tpu.memory_space<vmem>> -> memref<1x128xi32, #tpu.memory_space<vmem>>
    %dma_start3A_26 = tpu.memref_squeeze %dma_start3A_25 : memref<1x128xi32, #tpu.memory_space<vmem>> -> memref<128xi32, #tpu.memory_space<vmem>>
    %dma_start3A_27 = arith.constant 0 : i32
    %dma_start3A_28 = arith.constant 0 : i32
    %dma_start3A_29 = tpu.memref_slice %arg2[%dma_start3A_27, %dma_start3A_28] : memref<501760x128xf32, #tpu.memory_space<hbm>> -> memref<501760x128xf32, #tpu.memory_space<hbm>>
    %dma_start3A_30 = tpu.memref_slice %arg7[%dma_start3A_19] : memref<4x!tpu.dma_semaphore, #tpu.memory_space<semaphore_mem>> -> memref<1x!tpu.dma_semaphore, #tpu.memory_space<semaphore_mem>>
    %dma_start3A_31 = tpu.memref_squeeze %dma_start3A_30 : memref<1x!tpu.dma_semaphore, #tpu.memory_space<semaphore_mem>> -> memref<!tpu.dma_semaphore, #tpu.memory_space<semaphore_mem>>
    tpu.enqueue_indirect_dma source(%dma_start3A_29 : memref<501760x128xf32, #tpu.memory_space<hbm>>) target(%dma_start3A_23 : memref<128x128xf32, #tpu.memory_space<vmem>>) offsets(%dma_start3A_26 : memref<128xi32, #tpu.memory_space<vmem>>) semaphore(%dma_start3A_31 : memref<!tpu.dma_semaphore, #tpu.memory_space<semaphore_mem>>)
    %dma_wait3A = arith.constant 0 : i32
    %dma_wait3A_32 = arith.constant 0 : i32
    %dma_wait3A_33 = arith.constant 0 : i32
    %dma_wait3A_34 = arith.constant 0 : i32
    %dma_wait3A_35 = arith.constant 0 : i32
    %dma_wait3A_36 = tpu.memref_slice %arg6[%dma_wait3A_32, %dma_wait3A_34, %dma_wait3A_35] : memref<4x128x128xf32, #tpu.memory_space<vmem>> -> memref<1x128x128xf32, #tpu.memory_space<vmem>>
    %dma_wait3A_37 = tpu.memref_squeeze %dma_wait3A_36 : memref<1x128x128xf32, #tpu.memory_space<vmem>> -> memref<128x128xf32, #tpu.memory_space<vmem>>
    %dma_wait3A_38 = arith.constant 0 : i32
    %dma_wait3A_39 = tpu.memref_slice %arg5[%dma_wait3A, %dma_wait3A_38] : memref<12x128xi32, #tpu.memory_space<vmem>> -> memref<1x128xi32, #tpu.memory_space<vmem>>
    %dma_wait3A_40 = tpu.memref_squeeze %dma_wait3A_39 : memref<1x128xi32, #tpu.memory_space<vmem>> -> memref<128xi32, #tpu.memory_space<vmem>>
    %dma_wait3A_41 = arith.constant 0 : i32
    %dma_wait3A_42 = arith.constant 0 : i32
    %dma_wait3A_43 = tpu.memref_slice %arg2[%dma_wait3A_41, %dma_wait3A_42] : memref<501760x128xf32, #tpu.memory_space<hbm>> -> memref<501760x128xf32, #tpu.memory_space<hbm>>
    %dma_wait3A_44 = tpu.memref_slice %arg7[%dma_wait3A_33] : memref<4x!tpu.dma_semaphore, #tpu.memory_space<semaphore_mem>> -> memref<1x!tpu.dma_semaphore, #tpu.memory_space<semaphore_mem>>
    %dma_wait3A_45 = tpu.memref_squeeze %dma_wait3A_44 : memref<1x!tpu.dma_semaphore, #tpu.memory_space<semaphore_mem>> -> memref<!tpu.dma_semaphore, #tpu.memory_space<semaphore_mem>>
    tpu.wait_indirect_dma semaphore(%dma_wait3A_45 : memref<!tpu.dma_semaphore, #tpu.memory_space<semaphore_mem>>) src(%dma_wait3A_43 : memref<501760x128xf32, #tpu.memory_space<hbm>>) dst(%dma_wait3A_37 : memref<128x128xf32, #tpu.memory_space<vmem>>)
    %add3A_46 = arith.constant 0 : i32
    %add3A_47 = arith.addi %mul3A_2, %add3A_46 : i32
    %dma_start3A_48 = arith.constant 0 : i32
    %dma_start3A_49 = arith.constant 0 : i32
    %dma_start3A_50 = arith.constant 0 : i32
    %dma_start3A_51 = arith.constant 0 : i32
    %dma_start3A_52 = tpu.memref_slice %arg6[%dma_start3A_48, %dma_start3A_50, %dma_start3A_51] : memref<4x128x128xf32, #tpu.memory_space<vmem>> -> memref<1x128x128xf32, #tpu.memory_space<vmem>>
    %dma_start3A_53 = tpu.memref_squeeze %dma_start3A_52 : memref<1x128x128xf32, #tpu.memory_space<vmem>> -> memref<128x128xf32, #tpu.memory_space<vmem>>
    %dma_start3A_54 = arith.constant 0 : i32
    %dma_start3A_55 = tpu.memref_slice %arg4[%add3A_47, %dma_start3A_54] : memref<49152x128xf32, #tpu.memory_space<hbm>> -> memref<128x128xf32, #tpu.memory_space<hbm>>
    %dma_start3A_56 = tpu.memref_slice %arg8[%dma_start3A_49] : memref<4x!tpu.dma_semaphore, #tpu.memory_space<semaphore_mem>> -> memref<1x!tpu.dma_semaphore, #tpu.memory_space<semaphore_mem>>
    %dma_start3A_57 = tpu.memref_squeeze %dma_start3A_56 : memref<1x!tpu.dma_semaphore, #tpu.memory_space<semaphore_mem>> -> memref<!tpu.dma_semaphore, #tpu.memory_space<semaphore_mem>>
    %dma_start3A_58 = arith.constant 0 : i32
    %dma_start3A_59 = tpu.memref_slice %arg4[%add3A_47, %dma_start3A_58] : memref<49152x128xf32, #tpu.memory_space<hbm>> -> memref<128x128xf32, #tpu.memory_space<hbm>>
    %dma_start3A_60 = arith.constant 0 : i32
    %dma_start3A_61 = arith.constant 0 : i32
    %dma_start3A_62 = tpu.memref_slice %arg6[%dma_start3A_48, %dma_start3A_60, %dma_start3A_61] : memref<4x128x128xf32, #tpu.memory_space<vmem>> -> memref<1x128x128xf32, #tpu.memory_space<vmem>>
    %dma_start3A_63 = tpu.memref_squeeze %dma_start3A_62 : memref<1x128x128xf32, #tpu.memory_space<vmem>> -> memref<128x128xf32, #tpu.memory_space<vmem>>
    tpu.enqueue_dma source(%dma_start3A_63 : memref<128x128xf32, #tpu.memory_space<vmem>>) target(%dma_start3A_59 : memref<128x128xf32, #tpu.memory_space<hbm>>) target_semaphore(%dma_start3A_57 : memref<!tpu.dma_semaphore, #tpu.memory_space<semaphore_mem>>)
    %dma_start3A_64 = arith.constant 2 : i32
    %dma_start3A_65 = arith.constant 2 : i32
    %dma_start3A_66 = arith.constant 2 : i32
    %dma_start3A_67 = arith.constant 0 : i32
    %dma_start3A_68 = arith.constant 0 : i32
    %dma_start3A_69 = tpu.memref_slice %arg6[%dma_start3A_65, %dma_start3A_67, %dma_start3A_68] : memref<4x128x128xf32, #tpu.memory_space<vmem>> -> memref<1x128x128xf32, #tpu.memory_space<vmem>>
    %dma_start3A_70 = tpu.memref_squeeze %dma_start3A_69 : memref<1x128x128xf32, #tpu.memory_space<vmem>> -> memref<128x128xf32, #tpu.memory_space<vmem>>
    %dma_start3A_71 = arith.constant 0 : i32
    %dma_start3A_72 = tpu.memref_slice %arg5[%dma_start3A_64, %dma_start3A_71] : memref<12x128xi32, #tpu.memory_space<vmem>> -> memref<1x128xi32, #tpu.memory_space<vmem>>
    %dma_start3A_73 = tpu.memref_squeeze %dma_start3A_72 : memref<1x128xi32, #tpu.memory_space<vmem>> -> memref<128xi32, #tpu.memory_space<vmem>>
    %dma_start3A_74 = arith.constant 0 : i32
    %dma_start3A_75 = arith.constant 0 : i32
    %dma_start3A_76 = tpu.memref_slice %arg2[%dma_start3A_74, %dma_start3A_75] : memref<501760x128xf32, #tpu.memory_space<hbm>> -> memref<501760x128xf32, #tpu.memory_space<hbm>>
    %dma_start3A_77 = tpu.memref_slice %arg7[%dma_start3A_66] : memref<4x!tpu.dma_semaphore, #tpu.memory_space<semaphore_mem>> -> memref<1x!tpu.dma_semaphore, #tpu.memory_space<semaphore_mem>>
    %dma_start3A_78 = tpu.memref_squeeze %dma_start3A_77 : memref<1x!tpu.dma_semaphore, #tpu.memory_space<semaphore_mem>> -> memref<!tpu.dma_semaphore, #tpu.memory_space<semaphore_mem>>
    tpu.enqueue_indirect_dma source(%dma_start3A_76 : memref<501760x128xf32, #tpu.memory_space<hbm>>) target(%dma_start3A_70 : memref<128x128xf32, #tpu.memory_space<vmem>>) offsets(%dma_start3A_73 : memref<128xi32, #tpu.memory_space<vmem>>) semaphore(%dma_start3A_78 : memref<!tpu.dma_semaphore, #tpu.memory_space<semaphore_mem>>)
    %dma_wait3A_79 = arith.constant 1 : i32
    %dma_wait3A_80 = arith.constant 1 : i32
    %dma_wait3A_81 = arith.constant 1 : i32
    %dma_wait3A_82 = arith.constant 0 : i32
    %dma_wait3A_83 = arith.constant 0 : i32
    %dma_wait3A_84 = tpu.memref_slice %arg6[%dma_wait3A_80, %dma_wait3A_82, %dma_wait3A_83] : memref<4x128x128xf32, #tpu.memory_space<vmem>> -> memref<1x128x128xf32, #tpu.memory_space<vmem>>
    %dma_wait3A_85 = tpu.memref_squeeze %dma_wait3A_84 : memref<1x128x128xf32, #tpu.memory_space<vmem>> -> memref<128x128xf32, #tpu.memory_space<vmem>>
    %dma_wait3A_86 = arith.constant 0 : i32
    %dma_wait3A_87 = tpu.memref_slice %arg5[%dma_wait3A_79, %dma_wait3A_86] : memref<12x128xi32, #tpu.memory_space<vmem>> -> memref<1x128xi32, #tpu.memory_space<vmem>>
    %dma_wait3A_88 = tpu.memref_squeeze %dma_wait3A_87 : memref<1x128xi32, #tpu.memory_space<vmem>> -> memref<128xi32, #tpu.memory_space<vmem>>
    %dma_wait3A_89 = arith.constant 0 : i32
    %dma_wait3A_90 = arith.constant 0 : i32
    %dma_wait3A_91 = tpu.memref_slice %arg2[%dma_wait3A_89, %dma_wait3A_90] : memref<501760x128xf32, #tpu.memory_space<hbm>> -> memref<501760x128xf32, #tpu.memory_space<hbm>>
    %dma_wait3A_92 = tpu.memref_slice %arg7[%dma_wait3A_81] : memref<4x!tpu.dma_semaphore, #tpu.memory_space<semaphore_mem>> -> memref<1x!tpu.dma_semaphore, #tpu.memory_space<semaphore_mem>>
    %dma_wait3A_93 = tpu.memref_squeeze %dma_wait3A_92 : memref<1x!tpu.dma_semaphore, #tpu.memory_space<semaphore_mem>> -> memref<!tpu.dma_semaphore, #tpu.memory_space<semaphore_mem>>
    tpu.wait_indirect_dma semaphore(%dma_wait3A_93 : memref<!tpu.dma_semaphore, #tpu.memory_space<semaphore_mem>>) src(%dma_wait3A_91 : memref<501760x128xf32, #tpu.memory_space<hbm>>) dst(%dma_wait3A_85 : memref<128x128xf32, #tpu.memory_space<vmem>>)
    %add3A_94 = arith.constant 128 : i32
    %add3A_95 = arith.addi %mul3A_2, %add3A_94 : i32
    %dma_start3A_96 = arith.constant 1 : i32
    %dma_start3A_97 = arith.constant 1 : i32
    %dma_start3A_98 = arith.constant 0 : i32
    %dma_start3A_99 = arith.constant 0 : i32
    %dma_start3A_100 = tpu.memref_slice %arg6[%dma_start3A_96, %dma_start3A_98, %dma_start3A_99] : memref<4x128x128xf32, #tpu.memory_space<vmem>> -> memref<1x128x128xf32, #tpu.memory_space<vmem>>
    %dma_start3A_101 = tpu.memref_squeeze %dma_start3A_100 : memref<1x128x128xf32, #tpu.memory_space<vmem>> -> memref<128x128xf32, #tpu.memory_space<vmem>>
    %dma_start3A_102 = arith.constant 0 : i32
    %dma_start3A_103 = tpu.memref_slice %arg4[%add3A_95, %dma_start3A_102] : memref<49152x128xf32, #tpu.memory_space<hbm>> -> memref<128x128xf32, #tpu.memory_space<hbm>>
    %dma_start3A_104 = tpu.memref_slice %arg8[%dma_start3A_97] : memref<4x!tpu.dma_semaphore, #tpu.memory_space<semaphore_mem>> -> memref<1x!tpu.dma_semaphore, #tpu.memory_space<semaphore_mem>>
    %dma_start3A_105 = tpu.memref_squeeze %dma_start3A_104 : memref<1x!tpu.dma_semaphore, #tpu.memory_space<semaphore_mem>> -> memref<!tpu.dma_semaphore, #tpu.memory_space<semaphore_mem>>
    %dma_start3A_106 = arith.constant 0 : i32
    %dma_start3A_107 = tpu.memref_slice %arg4[%add3A_95, %dma_start3A_106] : memref<49152x128xf32, #tpu.memory_space<hbm>> -> memref<128x128xf32, #tpu.memory_space<hbm>>
    %dma_start3A_108 = arith.constant 0 : i32
    %dma_start3A_109 = arith.constant 0 : i32
    %dma_start3A_110 = tpu.memref_slice %arg6[%dma_start3A_96, %dma_start3A_108, %dma_start3A_109] : memref<4x128x128xf32, #tpu.memory_space<vmem>> -> memref<1x128x128xf32, #tpu.memory_space<vmem>>
    %dma_start3A_111 = tpu.memref_squeeze %dma_start3A_110 : memref<1x128x128xf32, #tpu.memory_space<vmem>> -> memref<128x128xf32, #tpu.memory_space<vmem>>
    tpu.enqueue_dma source(%dma_start3A_111 : memref<128x128xf32, #tpu.memory_space<vmem>>) target(%dma_start3A_107 : memref<128x128xf32, #tpu.memory_space<hbm>>) target_semaphore(%dma_start3A_105 : memref<!tpu.dma_semaphore, #tpu.memory_space<semaphore_mem>>)
    %dma_start3A_112 = arith.constant 3 : i32
    %dma_start3A_113 = arith.constant 3 : i32
    %dma_start3A_114 = arith.constant 3 : i32
    %dma_start3A_115 = arith.constant 0 : i32
    %dma_start3A_116 = arith.constant 0 : i32
    %dma_start3A_117 = tpu.memref_slice %arg6[%dma_start3A_113, %dma_start3A_115, %dma_start3A_116] : memref<4x128x128xf32, #tpu.memory_space<vmem>> -> memref<1x128x128xf32, #tpu.memory_space<vmem>>
    %dma_start3A_118 = tpu.memref_squeeze %dma_start3A_117 : memref<1x128x128xf32, #tpu.memory_space<vmem>> -> memref<128x128xf32, #tpu.memory_space<vmem>>
    %dma_start3A_119 = arith.constant 0 : i32
    %dma_start3A_120 = tpu.memref_slice %arg5[%dma_start3A_112, %dma_start3A_119] : memref<12x128xi32, #tpu.memory_space<vmem>> -> memref<1x128xi32, #tpu.memory_space<vmem>>
    %dma_start3A_121 = tpu.memref_squeeze %dma_start3A_120 : memref<1x128xi32, #tpu.memory_space<vmem>> -> memref<128xi32, #tpu.memory_space<vmem>>
    %dma_start3A_122 = arith.constant 0 : i32
    %dma_start3A_123 = arith.constant 0 : i32
    %dma_start3A_124 = tpu.memref_slice %arg2[%dma_start3A_122, %dma_start3A_123] : memref<501760x128xf32, #tpu.memory_space<hbm>> -> memref<501760x128xf32, #tpu.memory_space<hbm>>
    %dma_start3A_125 = tpu.memref_slice %arg7[%dma_start3A_114] : memref<4x!tpu.dma_semaphore, #tpu.memory_space<semaphore_mem>> -> memref<1x!tpu.dma_semaphore, #tpu.memory_space<semaphore_mem>>
    %dma_start3A_126 = tpu.memref_squeeze %dma_start3A_125 : memref<1x!tpu.dma_semaphore, #tpu.memory_space<semaphore_mem>> -> memref<!tpu.dma_semaphore, #tpu.memory_space<semaphore_mem>>
    tpu.enqueue_indirect_dma source(%dma_start3A_124 : memref<501760x128xf32, #tpu.memory_space<hbm>>) target(%dma_start3A_118 : memref<128x128xf32, #tpu.memory_space<vmem>>) offsets(%dma_start3A_121 : memref<128xi32, #tpu.memory_space<vmem>>) semaphore(%dma_start3A_126 : memref<!tpu.dma_semaphore, #tpu.memory_space<semaphore_mem>>)
    %dma_wait3A_127 = arith.constant 2 : i32
    %dma_wait3A_128 = arith.constant 2 : i32
    %dma_wait3A_129 = arith.constant 2 : i32
    %dma_wait3A_130 = arith.constant 0 : i32
    %dma_wait3A_131 = arith.constant 0 : i32
    %dma_wait3A_132 = tpu.memref_slice %arg6[%dma_wait3A_128, %dma_wait3A_130, %dma_wait3A_131] : memref<4x128x128xf32, #tpu.memory_space<vmem>> -> memref<1x128x128xf32, #tpu.memory_space<vmem>>
    %dma_wait3A_133 = tpu.memref_squeeze %dma_wait3A_132 : memref<1x128x128xf32, #tpu.memory_space<vmem>> -> memref<128x128xf32, #tpu.memory_space<vmem>>
    %dma_wait3A_134 = arith.constant 0 : i32
    %dma_wait3A_135 = tpu.memref_slice %arg5[%dma_wait3A_127, %dma_wait3A_134] : memref<12x128xi32, #tpu.memory_space<vmem>> -> memref<1x128xi32, #tpu.memory_space<vmem>>
    %dma_wait3A_136 = tpu.memref_squeeze %dma_wait3A_135 : memref<1x128xi32, #tpu.memory_space<vmem>> -> memref<128xi32, #tpu.memory_space<vmem>>
    %dma_wait3A_137 = arith.constant 0 : i32
    %dma_wait3A_138 = arith.constant 0 : i32
    %dma_wait3A_139 = tpu.memref_slice %arg2[%dma_wait3A_137, %dma_wait3A_138] : memref<501760x128xf32, #tpu.memory_space<hbm>> -> memref<501760x128xf32, #tpu.memory_space<hbm>>
    %dma_wait3A_140 = tpu.memref_slice %arg7[%dma_wait3A_129] : memref<4x!tpu.dma_semaphore, #tpu.memory_space<semaphore_mem>> -> memref<1x!tpu.dma_semaphore, #tpu.memory_space<semaphore_mem>>
    %dma_wait3A_141 = tpu.memref_squeeze %dma_wait3A_140 : memref<1x!tpu.dma_semaphore, #tpu.memory_space<semaphore_mem>> -> memref<!tpu.dma_semaphore, #tpu.memory_space<semaphore_mem>>
    tpu.wait_indirect_dma semaphore(%dma_wait3A_141 : memref<!tpu.dma_semaphore, #tpu.memory_space<semaphore_mem>>) src(%dma_wait3A_139 : memref<501760x128xf32, #tpu.memory_space<hbm>>) dst(%dma_wait3A_133 : memref<128x128xf32, #tpu.memory_space<vmem>>)
    %add3A_142 = arith.constant 256 : i32
    %add3A_143 = arith.addi %mul3A_2, %add3A_142 : i32
    %dma_start3A_144 = arith.constant 2 : i32
    %dma_start3A_145 = arith.constant 2 : i32
    %dma_start3A_146 = arith.constant 0 : i32
    %dma_start3A_147 = arith.constant 0 : i32
    %dma_start3A_148 = tpu.memref_slice %arg6[%dma_start3A_144, %dma_start3A_146, %dma_start3A_147] : memref<4x128x128xf32, #tpu.memory_space<vmem>> -> memref<1x128x128xf32, #tpu.memory_space<vmem>>
    %dma_start3A_149 = tpu.memref_squeeze %dma_start3A_148 : memref<1x128x128xf32, #tpu.memory_space<vmem>> -> memref<128x128xf32, #tpu.memory_space<vmem>>
    %dma_start3A_150 = arith.constant 0 : i32
    %dma_start3A_151 = tpu.memref_slice %arg4[%add3A_143, %dma_start3A_150] : memref<49152x128xf32, #tpu.memory_space<hbm>> -> memref<128x128xf32, #tpu.memory_space<hbm>>
    %dma_start3A_152 = tpu.memref_slice %arg8[%dma_start3A_145] : memref<4x!tpu.dma_semaphore, #tpu.memory_space<semaphore_mem>> -> memref<1x!tpu.dma_semaphore, #tpu.memory_space<semaphore_mem>>
    %dma_start3A_153 = tpu.memref_squeeze %dma_start3A_152 : memref<1x!tpu.dma_semaphore, #tpu.memory_space<semaphore_mem>> -> memref<!tpu.dma_semaphore, #tpu.memory_space<semaphore_mem>>
    %dma_start3A_154 = arith.constant 0 : i32
    %dma_start3A_155 = tpu.memref_slice %arg4[%add3A_143, %dma_start3A_154] : memref<49152x128xf32, #tpu.memory_space<hbm>> -> memref<128x128xf32, #tpu.memory_space<hbm>>
    %dma_start3A_156 = arith.constant 0 : i32
    %dma_start3A_157 = arith.constant 0 : i32
    %dma_start3A_158 = tpu.memref_slice %arg6[%dma_start3A_144, %dma_start3A_156, %dma_start3A_157] : memref<4x128x128xf32, #tpu.memory_space<vmem>> -> memref<1x128x128xf32, #tpu.memory_space<vmem>>
    %dma_start3A_159 = tpu.memref_squeeze %dma_start3A_158 : memref<1x128x128xf32, #tpu.memory_space<vmem>> -> memref<128x128xf32, #tpu.memory_space<vmem>>
    tpu.enqueue_dma source(%dma_start3A_159 : memref<128x128xf32, #tpu.memory_space<vmem>>) target(%dma_start3A_155 : memref<128x128xf32, #tpu.memory_space<hbm>>) target_semaphore(%dma_start3A_153 : memref<!tpu.dma_semaphore, #tpu.memory_space<semaphore_mem>>)
    %dma_wait3A_160 = arith.constant 0 : i32
    %dma_wait3A_161 = arith.constant 0 : i32
    %dma_wait3A_162 = arith.constant 0 : i32
    %dma_wait3A_163 = arith.constant 0 : i32
    %dma_wait3A_164 = tpu.memref_slice %arg6[%dma_wait3A_160, %dma_wait3A_162, %dma_wait3A_163] : memref<4x128x128xf32, #tpu.memory_space<vmem>> -> memref<1x128x128xf32, #tpu.memory_space<vmem>>
    %dma_wait3A_165 = tpu.memref_squeeze %dma_wait3A_164 : memref<1x128x128xf32, #tpu.memory_space<vmem>> -> memref<128x128xf32, #tpu.memory_space<vmem>>
    %dma_wait3A_166 = arith.constant 0 : i32
    %dma_wait3A_167 = tpu.memref_slice %arg4[%add3A_47, %dma_wait3A_166] : memref<49152x128xf32, #tpu.memory_space<hbm>> -> memref<128x128xf32, #tpu.memory_space<hbm>>
    %dma_wait3A_168 = tpu.memref_slice %arg8[%dma_wait3A_161] : memref<4x!tpu.dma_semaphore, #tpu.memory_space<semaphore_mem>> -> memref<1x!tpu.dma_semaphore, #tpu.memory_space<semaphore_mem>>
    %dma_wait3A_169 = tpu.memref_squeeze %dma_wait3A_168 : memref<1x!tpu.dma_semaphore, #tpu.memory_space<semaphore_mem>> -> memref<!tpu.dma_semaphore, #tpu.memory_space<semaphore_mem>>
    %dma_wait3A_170 = arith.constant 0 : i32
    %dma_wait3A_171 = tpu.memref_slice %arg4[%add3A_47, %dma_wait3A_170] : memref<49152x128xf32, #tpu.memory_space<hbm>> -> memref<128x128xf32, #tpu.memory_space<hbm>>
    %dma_wait3A_172 = arith.constant 0 : i32
    %dma_wait3A_173 = arith.constant 0 : i32
    %dma_wait3A_174 = tpu.memref_slice %arg6[%dma_wait3A_160, %dma_wait3A_172, %dma_wait3A_173] : memref<4x128x128xf32, #tpu.memory_space<vmem>> -> memref<1x128x128xf32, #tpu.memory_space<vmem>>
    %dma_wait3A_175 = tpu.memref_squeeze %dma_wait3A_174 : memref<1x128x128xf32, #tpu.memory_space<vmem>> -> memref<128x128xf32, #tpu.memory_space<vmem>>
    tpu.wait_dma2 semaphore(%dma_wait3A_169 : memref<!tpu.dma_semaphore, #tpu.memory_space<semaphore_mem>>) src(%dma_wait3A_175 : memref<128x128xf32, #tpu.memory_space<vmem>>) dst(%dma_wait3A_171 : memref<128x128xf32, #tpu.memory_space<hbm>>)
    %dma_start3A_176 = arith.constant 4 : i32
    %dma_start3A_177 = arith.constant 0 : i32
    %dma_start3A_178 = arith.constant 0 : i32
    %dma_start3A_179 = arith.constant 0 : i32
    %dma_start3A_180 = arith.constant 0 : i32
    %dma_start3A_181 = tpu.memref_slice %arg6[%dma_start3A_177, %dma_start3A_179, %dma_start3A_180] : memref<4x128x128xf32, #tpu.memory_space<vmem>> -> memref<1x128x128xf32, #tpu.memory_space<vmem>>
    %dma_start3A_182 = tpu.memref_squeeze %dma_start3A_181 : memref<1x128x128xf32, #tpu.memory_space<vmem>> -> memref<128x128xf32, #tpu.memory_space<vmem>>
    %dma_start3A_183 = arith.constant 0 : i32
    %dma_start3A_184 = tpu.memref_slice %arg5[%dma_start3A_176, %dma_start3A_183] : memref<12x128xi32, #tpu.memory_space<vmem>> -> memref<1x128xi32, #tpu.memory_space<vmem>>
    %dma_start3A_185 = tpu.memref_squeeze %dma_start3A_184 : memref<1x128xi32, #tpu.memory_space<vmem>> -> memref<128xi32, #tpu.memory_space<vmem>>
    %dma_start3A_186 = arith.constant 0 : i32
    %dma_start3A_187 = arith.constant 0 : i32
    %dma_start3A_188 = tpu.memref_slice %arg2[%dma_start3A_186, %dma_start3A_187] : memref<501760x128xf32, #tpu.memory_space<hbm>> -> memref<501760x128xf32, #tpu.memory_space<hbm>>
    %dma_start3A_189 = tpu.memref_slice %arg7[%dma_start3A_178] : memref<4x!tpu.dma_semaphore, #tpu.memory_space<semaphore_mem>> -> memref<1x!tpu.dma_semaphore, #tpu.memory_space<semaphore_mem>>
    %dma_start3A_190 = tpu.memref_squeeze %dma_start3A_189 : memref<1x!tpu.dma_semaphore, #tpu.memory_space<semaphore_mem>> -> memref<!tpu.dma_semaphore, #tpu.memory_space<semaphore_mem>>
    tpu.enqueue_indirect_dma source(%dma_start3A_188 : memref<501760x128xf32, #tpu.memory_space<hbm>>) target(%dma_start3A_182 : memref<128x128xf32, #tpu.memory_space<vmem>>) offsets(%dma_start3A_185 : memref<128xi32, #tpu.memory_space<vmem>>) semaphore(%dma_start3A_190 : memref<!tpu.dma_semaphore, #tpu.memory_space<semaphore_mem>>)
    %dma_wait3A_191 = arith.constant 3 : i32
    %dma_wait3A_192 = arith.constant 3 : i32
    %dma_wait3A_193 = arith.constant 3 : i32
    %dma_wait3A_194 = arith.constant 0 : i32
    %dma_wait3A_195 = arith.constant 0 : i32
    %dma_wait3A_196 = tpu.memref_slice %arg6[%dma_wait3A_192, %dma_wait3A_194, %dma_wait3A_195] : memref<4x128x128xf32, #tpu.memory_space<vmem>> -> memref<1x128x128xf32, #tpu.memory_space<vmem>>
    %dma_wait3A_197 = tpu.memref_squeeze %dma_wait3A_196 : memref<1x128x128xf32, #tpu.memory_space<vmem>> -> memref<128x128xf32, #tpu.memory_space<vmem>>
    %dma_wait3A_198 = arith.constant 0 : i32
    %dma_wait3A_199 = tpu.memref_slice %arg5[%dma_wait3A_191, %dma_wait3A_198] : memref<12x128xi32, #tpu.memory_space<vmem>> -> memref<1x128xi32, #tpu.memory_space<vmem>>
    %dma_wait3A_200 = tpu.memref_squeeze %dma_wait3A_199 : memref<1x128xi32, #tpu.memory_space<vmem>> -> memref<128xi32, #tpu.memory_space<vmem>>
    %dma_wait3A_201 = arith.constant 0 : i32
    %dma_wait3A_202 = arith.constant 0 : i32
    %dma_wait3A_203 = tpu.memref_slice %arg2[%dma_wait3A_201, %dma_wait3A_202] : memref<501760x128xf32, #tpu.memory_space<hbm>> -> memref<501760x128xf32, #tpu.memory_space<hbm>>
    %dma_wait3A_204 = tpu.memref_slice %arg7[%dma_wait3A_193] : memref<4x!tpu.dma_semaphore, #tpu.memory_space<semaphore_mem>> -> memref<1x!tpu.dma_semaphore, #tpu.memory_space<semaphore_mem>>
    %dma_wait3A_205 = tpu.memref_squeeze %dma_wait3A_204 : memref<1x!tpu.dma_semaphore, #tpu.memory_space<semaphore_mem>> -> memref<!tpu.dma_semaphore, #tpu.memory_space<semaphore_mem>>
    tpu.wait_indirect_dma semaphore(%dma_wait3A_205 : memref<!tpu.dma_semaphore, #tpu.memory_space<semaphore_mem>>) src(%dma_wait3A_203 : memref<501760x128xf32, #tpu.memory_space<hbm>>) dst(%dma_wait3A_197 : memref<128x128xf32, #tpu.memory_space<vmem>>)
    %add3A_206 = arith.constant 384 : i32
    %add3A_207 = arith.addi %mul3A_2, %add3A_206 : i32
    %dma_start3A_208 = arith.constant 3 : i32
    %dma_start3A_209 = arith.constant 3 : i32
    %dma_start3A_210 = arith.constant 0 : i32
    %dma_start3A_211 = arith.constant 0 : i32
    %dma_start3A_212 = tpu.memref_slice %arg6[%dma_start3A_208, %dma_start3A_210, %dma_start3A_211] : memref<4x128x128xf32, #tpu.memory_space<vmem>> -> memref<1x128x128xf32, #tpu.memory_space<vmem>>
    %dma_start3A_213 = tpu.memref_squeeze %dma_start3A_212 : memref<1x128x128xf32, #tpu.memory_space<vmem>> -> memref<128x128xf32, #tpu.memory_space<vmem>>
    %dma_start3A_214 = arith.constant 0 : i32
    %dma_start3A_215 = tpu.memref_slice %arg4[%add3A_207, %dma_start3A_214] : memref<49152x128xf32, #tpu.memory_space<hbm>> -> memref<128x128xf32, #tpu.memory_space<hbm>>
    %dma_start3A_216 = tpu.memref_slice %arg8[%dma_start3A_209] : memref<4x!tpu.dma_semaphore, #tpu.memory_space<semaphore_mem>> -> memref<1x!tpu.dma_semaphore, #tpu.memory_space<semaphore_mem>>
    %dma_start3A_217 = tpu.memref_squeeze %dma_start3A_216 : memref<1x!tpu.dma_semaphore, #tpu.memory_space<semaphore_mem>> -> memref<!tpu.dma_semaphore, #tpu.memory_space<semaphore_mem>>
    %dma_start3A_218 = arith.constant 0 : i32
    %dma_start3A_219 = tpu.memref_slice %arg4[%add3A_207, %dma_start3A_218] : memref<49152x128xf32, #tpu.memory_space<hbm>> -> memref<128x128xf32, #tpu.memory_space<hbm>>
    %dma_start3A_220 = arith.constant 0 : i32
    %dma_start3A_221 = arith.constant 0 : i32
    %dma_start3A_222 = tpu.memref_slice %arg6[%dma_start3A_208, %dma_start3A_220, %dma_start3A_221] : memref<4x128x128xf32, #tpu.memory_space<vmem>> -> memref<1x128x128xf32, #tpu.memory_space<vmem>>
    %dma_start3A_223 = tpu.memref_squeeze %dma_start3A_222 : memref<1x128x128xf32, #tpu.memory_space<vmem>> -> memref<128x128xf32, #tpu.memory_space<vmem>>
    tpu.enqueue_dma source(%dma_start3A_223 : memref<128x128xf32, #tpu.memory_space<vmem>>) target(%dma_start3A_219 : memref<128x128xf32, #tpu.memory_space<hbm>>) target_semaphore(%dma_start3A_217 : memref<!tpu.dma_semaphore, #tpu.memory_space<semaphore_mem>>)
    %dma_wait3A_224 = arith.constant 1 : i32
    %dma_wait3A_225 = arith.constant 1 : i32
    %dma_wait3A_226 = arith.constant 0 : i32
    %dma_wait3A_227 = arith.constant 0 : i32
    %dma_wait3A_228 = tpu.memref_slice %arg6[%dma_wait3A_224, %dma_wait3A_226, %dma_wait3A_227] : memref<4x128x128xf32, #tpu.memory_space<vmem>> -> memref<1x128x128xf32, #tpu.memory_space<vmem>>
    %dma_wait3A_229 = tpu.memref_squeeze %dma_wait3A_228 : memref<1x128x128xf32, #tpu.memory_space<vmem>> -> memref<128x128xf32, #tpu.memory_space<vmem>>
    %dma_wait3A_230 = arith.constant 0 : i32
    %dma_wait3A_231 = tpu.memref_slice %arg4[%add3A_95, %dma_wait3A_230] : memref<49152x128xf32, #tpu.memory_space<hbm>> -> memref<128x128xf32, #tpu.memory_space<hbm>>
    %dma_wait3A_232 = tpu.memref_slice %arg8[%dma_wait3A_225] : memref<4x!tpu.dma_semaphore, #tpu.memory_space<semaphore_mem>> -> memref<1x!tpu.dma_semaphore, #tpu.memory_space<semaphore_mem>>
    %dma_wait3A_233 = tpu.memref_squeeze %dma_wait3A_232 : memref<1x!tpu.dma_semaphore, #tpu.memory_space<semaphore_mem>> -> memref<!tpu.dma_semaphore, #tpu.memory_space<semaphore_mem>>
    %dma_wait3A_234 = arith.constant 0 : i32
    %dma_wait3A_235 = tpu.memref_slice %arg4[%add3A_95, %dma_wait3A_234] : memref<49152x128xf32, #tpu.memory_space<hbm>> -> memref<128x128xf32, #tpu.memory_space<hbm>>
    %dma_wait3A_236 = arith.constant 0 : i32
    %dma_wait3A_237 = arith.constant 0 : i32
    %dma_wait3A_238 = tpu.memref_slice %arg6[%dma_wait3A_224, %dma_wait3A_236, %dma_wait3A_237] : memref<4x128x128xf32, #tpu.memory_space<vmem>> -> memref<1x128x128xf32, #tpu.memory_space<vmem>>
    %dma_wait3A_239 = tpu.memref_squeeze %dma_wait3A_238 : memref<1x128x128xf32, #tpu.memory_space<vmem>> -> memref<128x128xf32, #tpu.memory_space<vmem>>
    tpu.wait_dma2 semaphore(%dma_wait3A_233 : memref<!tpu.dma_semaphore, #tpu.memory_space<semaphore_mem>>) src(%dma_wait3A_239 : memref<128x128xf32, #tpu.memory_space<vmem>>) dst(%dma_wait3A_235 : memref<128x128xf32, #tpu.memory_space<hbm>>)
    %dma_start3A_240 = arith.constant 5 : i32
    %dma_start3A_241 = arith.constant 1 : i32
    %dma_start3A_242 = arith.constant 1 : i32
    %dma_start3A_243 = arith.constant 0 : i32
    %dma_start3A_244 = arith.constant 0 : i32
    %dma_start3A_245 = tpu.memref_slice %arg6[%dma_start3A_241, %dma_start3A_243, %dma_start3A_244] : memref<4x128x128xf32, #tpu.memory_space<vmem>> -> memref<1x128x128xf32, #tpu.memory_space<vmem>>
    %dma_start3A_246 = tpu.memref_squeeze %dma_start3A_245 : memref<1x128x128xf32, #tpu.memory_space<vmem>> -> memref<128x128xf32, #tpu.memory_space<vmem>>
    %dma_start3A_247 = arith.constant 0 : i32
    %dma_start3A_248 = tpu.memref_slice %arg5[%dma_start3A_240, %dma_start3A_247] : memref<12x128xi32, #tpu.memory_space<vmem>> -> memref<1x128xi32, #tpu.memory_space<vmem>>
    %dma_start3A_249 = tpu.memref_squeeze %dma_start3A_248 : memref<1x128xi32, #tpu.memory_space<vmem>> -> memref<128xi32, #tpu.memory_space<vmem>>
    %dma_start3A_250 = arith.constant 0 : i32
    %dma_start3A_251 = arith.constant 0 : i32
    %dma_start3A_252 = tpu.memref_slice %arg2[%dma_start3A_250, %dma_start3A_251] : memref<501760x128xf32, #tpu.memory_space<hbm>> -> memref<501760x128xf32, #tpu.memory_space<hbm>>
    %dma_start3A_253 = tpu.memref_slice %arg7[%dma_start3A_242] : memref<4x!tpu.dma_semaphore, #tpu.memory_space<semaphore_mem>> -> memref<1x!tpu.dma_semaphore, #tpu.memory_space<semaphore_mem>>
    %dma_start3A_254 = tpu.memref_squeeze %dma_start3A_253 : memref<1x!tpu.dma_semaphore, #tpu.memory_space<semaphore_mem>> -> memref<!tpu.dma_semaphore, #tpu.memory_space<semaphore_mem>>
    tpu.enqueue_indirect_dma source(%dma_start3A_252 : memref<501760x128xf32, #tpu.memory_space<hbm>>) target(%dma_start3A_246 : memref<128x128xf32, #tpu.memory_space<vmem>>) offsets(%dma_start3A_249 : memref<128xi32, #tpu.memory_space<vmem>>) semaphore(%dma_start3A_254 : memref<!tpu.dma_semaphore, #tpu.memory_space<semaphore_mem>>)
    %dma_wait3A_255 = arith.constant 4 : i32
    %dma_wait3A_256 = arith.constant 0 : i32
    %dma_wait3A_257 = arith.constant 0 : i32
    %dma_wait3A_258 = arith.constant 0 : i32
    %dma_wait3A_259 = arith.constant 0 : i32
    %dma_wait3A_260 = tpu.memref_slice %arg6[%dma_wait3A_256, %dma_wait3A_258, %dma_wait3A_259] : memref<4x128x128xf32, #tpu.memory_space<vmem>> -> memref<1x128x128xf32, #tpu.memory_space<vmem>>
    %dma_wait3A_261 = tpu.memref_squeeze %dma_wait3A_260 : memref<1x128x128xf32, #tpu.memory_space<vmem>> -> memref<128x128xf32, #tpu.memory_space<vmem>>
    %dma_wait3A_262 = arith.constant 0 : i32
    %dma_wait3A_263 = tpu.memref_slice %arg5[%dma_wait3A_255, %dma_wait3A_262] : memref<12x128xi32, #tpu.memory_space<vmem>> -> memref<1x128xi32, #tpu.memory_space<vmem>>
    %dma_wait3A_264 = tpu.memref_squeeze %dma_wait3A_263 : memref<1x128xi32, #tpu.memory_space<vmem>> -> memref<128xi32, #tpu.memory_space<vmem>>
    %dma_wait3A_265 = arith.constant 0 : i32
    %dma_wait3A_266 = arith.constant 0 : i32
    %dma_wait3A_267 = tpu.memref_slice %arg2[%dma_wait3A_265, %dma_wait3A_266] : memref<501760x128xf32, #tpu.memory_space<hbm>> -> memref<501760x128xf32, #tpu.memory_space<hbm>>
    %dma_wait3A_268 = tpu.memref_slice %arg7[%dma_wait3A_257] : memref<4x!tpu.dma_semaphore, #tpu.memory_space<semaphore_mem>> -> memref<1x!tpu.dma_semaphore, #tpu.memory_space<semaphore_mem>>
    %dma_wait3A_269 = tpu.memref_squeeze %dma_wait3A_268 : memref<1x!tpu.dma_semaphore, #tpu.memory_space<semaphore_mem>> -> memref<!tpu.dma_semaphore, #tpu.memory_space<semaphore_mem>>
    tpu.wait_indirect_dma semaphore(%dma_wait3A_269 : memref<!tpu.dma_semaphore, #tpu.memory_space<semaphore_mem>>) src(%dma_wait3A_267 : memref<501760x128xf32, #tpu.memory_space<hbm>>) dst(%dma_wait3A_261 : memref<128x128xf32, #tpu.memory_space<vmem>>)
    %add3A_270 = arith.constant 512 : i32
    %add3A_271 = arith.addi %mul3A_2, %add3A_270 : i32
    %dma_start3A_272 = arith.constant 0 : i32
    %dma_start3A_273 = arith.constant 0 : i32
    %dma_start3A_274 = arith.constant 0 : i32
    %dma_start3A_275 = arith.constant 0 : i32
    %dma_start3A_276 = tpu.memref_slice %arg6[%dma_start3A_272, %dma_start3A_274, %dma_start3A_275] : memref<4x128x128xf32, #tpu.memory_space<vmem>> -> memref<1x128x128xf32, #tpu.memory_space<vmem>>
    %dma_start3A_277 = tpu.memref_squeeze %dma_start3A_276 : memref<1x128x128xf32, #tpu.memory_space<vmem>> -> memref<128x128xf32, #tpu.memory_space<vmem>>
    %dma_start3A_278 = arith.constant 0 : i32
    %dma_start3A_279 = tpu.memref_slice %arg4[%add3A_271, %dma_start3A_278] : memref<49152x128xf32, #tpu.memory_space<hbm>> -> memref<128x128xf32, #tpu.memory_space<hbm>>
    %dma_start3A_280 = tpu.memref_slice %arg8[%dma_start3A_273] : memref<4x!tpu.dma_semaphore, #tpu.memory_space<semaphore_mem>> -> memref<1x!tpu.dma_semaphore, #tpu.memory_space<semaphore_mem>>
    %dma_start3A_281 = tpu.memref_squeeze %dma_start3A_280 : memref<1x!tpu.dma_semaphore, #tpu.memory_space<semaphore_mem>> -> memref<!tpu.dma_semaphore, #tpu.memory_space<semaphore_mem>>
    %dma_start3A_282 = arith.constant 0 : i32
    %dma_start3A_283 = tpu.memref_slice %arg4[%add3A_271, %dma_start3A_282] : memref<49152x128xf32, #tpu.memory_space<hbm>> -> memref<128x128xf32, #tpu.memory_space<hbm>>
    %dma_start3A_284 = arith.constant 0 : i32
    %dma_start3A_285 = arith.constant 0 : i32
    %dma_start3A_286 = tpu.memref_slice %arg6[%dma_start3A_272, %dma_start3A_284, %dma_start3A_285] : memref<4x128x128xf32, #tpu.memory_space<vmem>> -> memref<1x128x128xf32, #tpu.memory_space<vmem>>
    %dma_start3A_287 = tpu.memref_squeeze %dma_start3A_286 : memref<1x128x128xf32, #tpu.memory_space<vmem>> -> memref<128x128xf32, #tpu.memory_space<vmem>>
    tpu.enqueue_dma source(%dma_start3A_287 : memref<128x128xf32, #tpu.memory_space<vmem>>) target(%dma_start3A_283 : memref<128x128xf32, #tpu.memory_space<hbm>>) target_semaphore(%dma_start3A_281 : memref<!tpu.dma_semaphore, #tpu.memory_space<semaphore_mem>>)
    %dma_wait3A_288 = arith.constant 2 : i32
    %dma_wait3A_289 = arith.constant 2 : i32
    %dma_wait3A_290 = arith.constant 0 : i32
    %dma_wait3A_291 = arith.constant 0 : i32
    %dma_wait3A_292 = tpu.memref_slice %arg6[%dma_wait3A_288, %dma_wait3A_290, %dma_wait3A_291] : memref<4x128x128xf32, #tpu.memory_space<vmem>> -> memref<1x128x128xf32, #tpu.memory_space<vmem>>
    %dma_wait3A_293 = tpu.memref_squeeze %dma_wait3A_292 : memref<1x128x128xf32, #tpu.memory_space<vmem>> -> memref<128x128xf32, #tpu.memory_space<vmem>>
    %dma_wait3A_294 = arith.constant 0 : i32
    %dma_wait3A_295 = tpu.memref_slice %arg4[%add3A_143, %dma_wait3A_294] : memref<49152x128xf32, #tpu.memory_space<hbm>> -> memref<128x128xf32, #tpu.memory_space<hbm>>
    %dma_wait3A_296 = tpu.memref_slice %arg8[%dma_wait3A_289] : memref<4x!tpu.dma_semaphore, #tpu.memory_space<semaphore_mem>> -> memref<1x!tpu.dma_semaphore, #tpu.memory_space<semaphore_mem>>
    %dma_wait3A_297 = tpu.memref_squeeze %dma_wait3A_296 : memref<1x!tpu.dma_semaphore, #tpu.memory_space<semaphore_mem>> -> memref<!tpu.dma_semaphore, #tpu.memory_space<semaphore_mem>>
    %dma_wait3A_298 = arith.constant 0 : i32
    %dma_wait3A_299 = tpu.memref_slice %arg4[%add3A_143, %dma_wait3A_298] : memref<49152x128xf32, #tpu.memory_space<hbm>> -> memref<128x128xf32, #tpu.memory_space<hbm>>
    %dma_wait3A_300 = arith.constant 0 : i32
    %dma_wait3A_301 = arith.constant 0 : i32
    %dma_wait3A_302 = tpu.memref_slice %arg6[%dma_wait3A_288, %dma_wait3A_300, %dma_wait3A_301] : memref<4x128x128xf32, #tpu.memory_space<vmem>> -> memref<1x128x128xf32, #tpu.memory_space<vmem>>
    %dma_wait3A_303 = tpu.memref_squeeze %dma_wait3A_302 : memref<1x128x128xf32, #tpu.memory_space<vmem>> -> memref<128x128xf32, #tpu.memory_space<vmem>>
    tpu.wait_dma2 semaphore(%dma_wait3A_297 : memref<!tpu.dma_semaphore, #tpu.memory_space<semaphore_mem>>) src(%dma_wait3A_303 : memref<128x128xf32, #tpu.memory_space<vmem>>) dst(%dma_wait3A_299 : memref<128x128xf32, #tpu.memory_space<hbm>>)
    %dma_start3A_304 = arith.constant 6 : i32
    %dma_start3A_305 = arith.constant 2 : i32
    %dma_start3A_306 = arith.constant 2 : i32
    %dma_start3A_307 = arith.constant 0 : i32
    %dma_start3A_308 = arith.constant 0 : i32
    %dma_start3A_309 = tpu.memref_slice %arg6[%dma_start3A_305, %dma_start3A_307, %dma_start3A_308] : memref<4x128x128xf32, #tpu.memory_space<vmem>> -> memref<1x128x128xf32, #tpu.memory_space<vmem>>
    %dma_start3A_310 = tpu.memref_squeeze %dma_start3A_309 : memref<1x128x128xf32, #tpu.memory_space<vmem>> -> memref<128x128xf32, #tpu.memory_space<vmem>>
    %dma_start3A_311 = arith.constant 0 : i32
    %dma_start3A_312 = tpu.memref_slice %arg5[%dma_start3A_304, %dma_start3A_311] : memref<12x128xi32, #tpu.memory_space<vmem>> -> memref<1x128xi32, #tpu.memory_space<vmem>>
    %dma_start3A_313 = tpu.memref_squeeze %dma_start3A_312 : memref<1x128xi32, #tpu.memory_space<vmem>> -> memref<128xi32, #tpu.memory_space<vmem>>
    %dma_start3A_314 = arith.constant 0 : i32
    %dma_start3A_315 = arith.constant 0 : i32
    %dma_start3A_316 = tpu.memref_slice %arg2[%dma_start3A_314, %dma_start3A_315] : memref<501760x128xf32, #tpu.memory_space<hbm>> -> memref<501760x128xf32, #tpu.memory_space<hbm>>
    %dma_start3A_317 = tpu.memref_slice %arg7[%dma_start3A_306] : memref<4x!tpu.dma_semaphore, #tpu.memory_space<semaphore_mem>> -> memref<1x!tpu.dma_semaphore, #tpu.memory_space<semaphore_mem>>
    %dma_start3A_318 = tpu.memref_squeeze %dma_start3A_317 : memref<1x!tpu.dma_semaphore, #tpu.memory_space<semaphore_mem>> -> memref<!tpu.dma_semaphore, #tpu.memory_space<semaphore_mem>>
    tpu.enqueue_indirect_dma source(%dma_start3A_316 : memref<501760x128xf32, #tpu.memory_space<hbm>>) target(%dma_start3A_310 : memref<128x128xf32, #tpu.memory_space<vmem>>) offsets(%dma_start3A_313 : memref<128xi32, #tpu.memory_space<vmem>>) semaphore(%dma_start3A_318 : memref<!tpu.dma_semaphore, #tpu.memory_space<semaphore_mem>>)
    %dma_wait3A_319 = arith.constant 5 : i32
    %dma_wait3A_320 = arith.constant 1 : i32
    %dma_wait3A_321 = arith.constant 1 : i32
    %dma_wait3A_322 = arith.constant 0 : i32
    %dma_wait3A_323 = arith.constant 0 : i32
    %dma_wait3A_324 = tpu.memref_slice %arg6[%dma_wait3A_320, %dma_wait3A_322, %dma_wait3A_323] : memref<4x128x128xf32, #tpu.memory_space<vmem>> -> memref<1x128x128xf32, #tpu.memory_space<vmem>>
    %dma_wait3A_325 = tpu.memref_squeeze %dma_wait3A_324 : memref<1x128x128xf32, #tpu.memory_space<vmem>> -> memref<128x128xf32, #tpu.memory_space<vmem>>
    %dma_wait3A_326 = arith.constant 0 : i32
    %dma_wait3A_327 = tpu.memref_slice %arg5[%dma_wait3A_319, %dma_wait3A_326] : memref<12x128xi32, #tpu.memory_space<vmem>> -> memref<1x128xi32, #tpu.memory_space<vmem>>
    %dma_wait3A_328 = tpu.memref_squeeze %dma_wait3A_327 : memref<1x128xi32, #tpu.memory_space<vmem>> -> memref<128xi32, #tpu.memory_space<vmem>>
    %dma_wait3A_329 = arith.constant 0 : i32
    %dma_wait3A_330 = arith.constant 0 : i32
    %dma_wait3A_331 = tpu.memref_slice %arg2[%dma_wait3A_329, %dma_wait3A_330] : memref<501760x128xf32, #tpu.memory_space<hbm>> -> memref<501760x128xf32, #tpu.memory_space<hbm>>
    %dma_wait3A_332 = tpu.memref_slice %arg7[%dma_wait3A_321] : memref<4x!tpu.dma_semaphore, #tpu.memory_space<semaphore_mem>> -> memref<1x!tpu.dma_semaphore, #tpu.memory_space<semaphore_mem>>
    %dma_wait3A_333 = tpu.memref_squeeze %dma_wait3A_332 : memref<1x!tpu.dma_semaphore, #tpu.memory_space<semaphore_mem>> -> memref<!tpu.dma_semaphore, #tpu.memory_space<semaphore_mem>>
    tpu.wait_indirect_dma semaphore(%dma_wait3A_333 : memref<!tpu.dma_semaphore, #tpu.memory_space<semaphore_mem>>) src(%dma_wait3A_331 : memref<501760x128xf32, #tpu.memory_space<hbm>>) dst(%dma_wait3A_325 : memref<128x128xf32, #tpu.memory_space<vmem>>)
    %add3A_334 = arith.constant 640 : i32
    %add3A_335 = arith.addi %mul3A_2, %add3A_334 : i32
    %dma_start3A_336 = arith.constant 1 : i32
    %dma_start3A_337 = arith.constant 1 : i32
    %dma_start3A_338 = arith.constant 0 : i32
    %dma_start3A_339 = arith.constant 0 : i32
    %dma_start3A_340 = tpu.memref_slice %arg6[%dma_start3A_336, %dma_start3A_338, %dma_start3A_339] : memref<4x128x128xf32, #tpu.memory_space<vmem>> -> memref<1x128x128xf32, #tpu.memory_space<vmem>>
    %dma_start3A_341 = tpu.memref_squeeze %dma_start3A_340 : memref<1x128x128xf32, #tpu.memory_space<vmem>> -> memref<128x128xf32, #tpu.memory_space<vmem>>
    %dma_start3A_342 = arith.constant 0 : i32
    %dma_start3A_343 = tpu.memref_slice %arg4[%add3A_335, %dma_start3A_342] : memref<49152x128xf32, #tpu.memory_space<hbm>> -> memref<128x128xf32, #tpu.memory_space<hbm>>
    %dma_start3A_344 = tpu.memref_slice %arg8[%dma_start3A_337] : memref<4x!tpu.dma_semaphore, #tpu.memory_space<semaphore_mem>> -> memref<1x!tpu.dma_semaphore, #tpu.memory_space<semaphore_mem>>
    %dma_start3A_345 = tpu.memref_squeeze %dma_start3A_344 : memref<1x!tpu.dma_semaphore, #tpu.memory_space<semaphore_mem>> -> memref<!tpu.dma_semaphore, #tpu.memory_space<semaphore_mem>>
    %dma_start3A_346 = arith.constant 0 : i32
    %dma_start3A_347 = tpu.memref_slice %arg4[%add3A_335, %dma_start3A_346] : memref<49152x128xf32, #tpu.memory_space<hbm>> -> memref<128x128xf32, #tpu.memory_space<hbm>>
    %dma_start3A_348 = arith.constant 0 : i32
    %dma_start3A_349 = arith.constant 0 : i32
    %dma_start3A_350 = tpu.memref_slice %arg6[%dma_start3A_336, %dma_start3A_348, %dma_start3A_349] : memref<4x128x128xf32, #tpu.memory_space<vmem>> -> memref<1x128x128xf32, #tpu.memory_space<vmem>>
    %dma_start3A_351 = tpu.memref_squeeze %dma_start3A_350 : memref<1x128x128xf32, #tpu.memory_space<vmem>> -> memref<128x128xf32, #tpu.memory_space<vmem>>
    tpu.enqueue_dma source(%dma_start3A_351 : memref<128x128xf32, #tpu.memory_space<vmem>>) target(%dma_start3A_347 : memref<128x128xf32, #tpu.memory_space<hbm>>) target_semaphore(%dma_start3A_345 : memref<!tpu.dma_semaphore, #tpu.memory_space<semaphore_mem>>)
    %dma_wait3A_352 = arith.constant 3 : i32
    %dma_wait3A_353 = arith.constant 3 : i32
    %dma_wait3A_354 = arith.constant 0 : i32
    %dma_wait3A_355 = arith.constant 0 : i32
    %dma_wait3A_356 = tpu.memref_slice %arg6[%dma_wait3A_352, %dma_wait3A_354, %dma_wait3A_355] : memref<4x128x128xf32, #tpu.memory_space<vmem>> -> memref<1x128x128xf32, #tpu.memory_space<vmem>>
    %dma_wait3A_357 = tpu.memref_squeeze %dma_wait3A_356 : memref<1x128x128xf32, #tpu.memory_space<vmem>> -> memref<128x128xf32, #tpu.memory_space<vmem>>
    %dma_wait3A_358 = arith.constant 0 : i32
    %dma_wait3A_359 = tpu.memref_slice %arg4[%add3A_207, %dma_wait3A_358] : memref<49152x128xf32, #tpu.memory_space<hbm>> -> memref<128x128xf32, #tpu.memory_space<hbm>>
    %dma_wait3A_360 = tpu.memref_slice %arg8[%dma_wait3A_353] : memref<4x!tpu.dma_semaphore, #tpu.memory_space<semaphore_mem>> -> memref<1x!tpu.dma_semaphore, #tpu.memory_space<semaphore_mem>>
    %dma_wait3A_361 = tpu.memref_squeeze %dma_wait3A_360 : memref<1x!tpu.dma_semaphore, #tpu.memory_space<semaphore_mem>> -> memref<!tpu.dma_semaphore, #tpu.memory_space<semaphore_mem>>
    %dma_wait3A_362 = arith.constant 0 : i32
    %dma_wait3A_363 = tpu.memref_slice %arg4[%add3A_207, %dma_wait3A_362] : memref<49152x128xf32, #tpu.memory_space<hbm>> -> memref<128x128xf32, #tpu.memory_space<hbm>>
    %dma_wait3A_364 = arith.constant 0 : i32
    %dma_wait3A_365 = arith.constant 0 : i32
    %dma_wait3A_366 = tpu.memref_slice %arg6[%dma_wait3A_352, %dma_wait3A_364, %dma_wait3A_365] : memref<4x128x128xf32, #tpu.memory_space<vmem>> -> memref<1x128x128xf32, #tpu.memory_space<vmem>>
    %dma_wait3A_367 = tpu.memref_squeeze %dma_wait3A_366 : memref<1x128x128xf32, #tpu.memory_space<vmem>> -> memref<128x128xf32, #tpu.memory_space<vmem>>
    tpu.wait_dma2 semaphore(%dma_wait3A_361 : memref<!tpu.dma_semaphore, #tpu.memory_space<semaphore_mem>>) src(%dma_wait3A_367 : memref<128x128xf32, #tpu.memory_space<vmem>>) dst(%dma_wait3A_363 : memref<128x128xf32, #tpu.memory_space<hbm>>)
    %dma_start3A_368 = arith.constant 7 : i32
    %dma_start3A_369 = arith.constant 3 : i32
    %dma_start3A_370 = arith.constant 3 : i32
    %dma_start3A_371 = arith.constant 0 : i32
    %dma_start3A_372 = arith.constant 0 : i32
    %dma_start3A_373 = tpu.memref_slice %arg6[%dma_start3A_369, %dma_start3A_371, %dma_start3A_372] : memref<4x128x128xf32, #tpu.memory_space<vmem>> -> memref<1x128x128xf32, #tpu.memory_space<vmem>>
    %dma_start3A_374 = tpu.memref_squeeze %dma_start3A_373 : memref<1x128x128xf32, #tpu.memory_space<vmem>> -> memref<128x128xf32, #tpu.memory_space<vmem>>
    %dma_start3A_375 = arith.constant 0 : i32
    %dma_start3A_376 = tpu.memref_slice %arg5[%dma_start3A_368, %dma_start3A_375] : memref<12x128xi32, #tpu.memory_space<vmem>> -> memref<1x128xi32, #tpu.memory_space<vmem>>
    %dma_start3A_377 = tpu.memref_squeeze %dma_start3A_376 : memref<1x128xi32, #tpu.memory_space<vmem>> -> memref<128xi32, #tpu.memory_space<vmem>>
    %dma_start3A_378 = arith.constant 0 : i32
    %dma_start3A_379 = arith.constant 0 : i32
    %dma_start3A_380 = tpu.memref_slice %arg2[%dma_start3A_378, %dma_start3A_379] : memref<501760x128xf32, #tpu.memory_space<hbm>> -> memref<501760x128xf32, #tpu.memory_space<hbm>>
    %dma_start3A_381 = tpu.memref_slice %arg7[%dma_start3A_370] : memref<4x!tpu.dma_semaphore, #tpu.memory_space<semaphore_mem>> -> memref<1x!tpu.dma_semaphore, #tpu.memory_space<semaphore_mem>>
    %dma_start3A_382 = tpu.memref_squeeze %dma_start3A_381 : memref<1x!tpu.dma_semaphore, #tpu.memory_space<semaphore_mem>> -> memref<!tpu.dma_semaphore, #tpu.memory_space<semaphore_mem>>
    tpu.enqueue_indirect_dma source(%dma_start3A_380 : memref<501760x128xf32, #tpu.memory_space<hbm>>) target(%dma_start3A_374 : memref<128x128xf32, #tpu.memory_space<vmem>>) offsets(%dma_start3A_377 : memref<128xi32, #tpu.memory_space<vmem>>) semaphore(%dma_start3A_382 : memref<!tpu.dma_semaphore, #tpu.memory_space<semaphore_mem>>)
    %dma_wait3A_383 = arith.constant 6 : i32
    %dma_wait3A_384 = arith.constant 2 : i32
    %dma_wait3A_385 = arith.constant 2 : i32
    %dma_wait3A_386 = arith.constant 0 : i32
    %dma_wait3A_387 = arith.constant 0 : i32
    %dma_wait3A_388 = tpu.memref_slice %arg6[%dma_wait3A_384, %dma_wait3A_386, %dma_wait3A_387] : memref<4x128x128xf32, #tpu.memory_space<vmem>> -> memref<1x128x128xf32, #tpu.memory_space<vmem>>
    %dma_wait3A_389 = tpu.memref_squeeze %dma_wait3A_388 : memref<1x128x128xf32, #tpu.memory_space<vmem>> -> memref<128x128xf32, #tpu.memory_space<vmem>>
    %dma_wait3A_390 = arith.constant 0 : i32
    %dma_wait3A_391 = tpu.memref_slice %arg5[%dma_wait3A_383, %dma_wait3A_390] : memref<12x128xi32, #tpu.memory_space<vmem>> -> memref<1x128xi32, #tpu.memory_space<vmem>>
    %dma_wait3A_392 = tpu.memref_squeeze %dma_wait3A_391 : memref<1x128xi32, #tpu.memory_space<vmem>> -> memref<128xi32, #tpu.memory_space<vmem>>
    %dma_wait3A_393 = arith.constant 0 : i32
    %dma_wait3A_394 = arith.constant 0 : i32
    %dma_wait3A_395 = tpu.memref_slice %arg2[%dma_wait3A_393, %dma_wait3A_394] : memref<501760x128xf32, #tpu.memory_space<hbm>> -> memref<501760x128xf32, #tpu.memory_space<hbm>>
    %dma_wait3A_396 = tpu.memref_slice %arg7[%dma_wait3A_385] : memref<4x!tpu.dma_semaphore, #tpu.memory_space<semaphore_mem>> -> memref<1x!tpu.dma_semaphore, #tpu.memory_space<semaphore_mem>>
    %dma_wait3A_397 = tpu.memref_squeeze %dma_wait3A_396 : memref<1x!tpu.dma_semaphore, #tpu.memory_space<semaphore_mem>> -> memref<!tpu.dma_semaphore, #tpu.memory_space<semaphore_mem>>
    tpu.wait_indirect_dma semaphore(%dma_wait3A_397 : memref<!tpu.dma_semaphore, #tpu.memory_space<semaphore_mem>>) src(%dma_wait3A_395 : memref<501760x128xf32, #tpu.memory_space<hbm>>) dst(%dma_wait3A_389 : memref<128x128xf32, #tpu.memory_space<vmem>>)
    %add3A_398 = arith.constant 768 : i32
    %add3A_399 = arith.addi %mul3A_2, %add3A_398 : i32
    %dma_start3A_400 = arith.constant 2 : i32
    %dma_start3A_401 = arith.constant 2 : i32
    %dma_start3A_402 = arith.constant 0 : i32
    %dma_start3A_403 = arith.constant 0 : i32
    %dma_start3A_404 = tpu.memref_slice %arg6[%dma_start3A_400, %dma_start3A_402, %dma_start3A_403] : memref<4x128x128xf32, #tpu.memory_space<vmem>> -> memref<1x128x128xf32, #tpu.memory_space<vmem>>
    %dma_start3A_405 = tpu.memref_squeeze %dma_start3A_404 : memref<1x128x128xf32, #tpu.memory_space<vmem>> -> memref<128x128xf32, #tpu.memory_space<vmem>>
    %dma_start3A_406 = arith.constant 0 : i32
    %dma_start3A_407 = tpu.memref_slice %arg4[%add3A_399, %dma_start3A_406] : memref<49152x128xf32, #tpu.memory_space<hbm>> -> memref<128x128xf32, #tpu.memory_space<hbm>>
    %dma_start3A_408 = tpu.memref_slice %arg8[%dma_start3A_401] : memref<4x!tpu.dma_semaphore, #tpu.memory_space<semaphore_mem>> -> memref<1x!tpu.dma_semaphore, #tpu.memory_space<semaphore_mem>>
    %dma_start3A_409 = tpu.memref_squeeze %dma_start3A_408 : memref<1x!tpu.dma_semaphore, #tpu.memory_space<semaphore_mem>> -> memref<!tpu.dma_semaphore, #tpu.memory_space<semaphore_mem>>
    %dma_start3A_410 = arith.constant 0 : i32
    %dma_start3A_411 = tpu.memref_slice %arg4[%add3A_399, %dma_start3A_410] : memref<49152x128xf32, #tpu.memory_space<hbm>> -> memref<128x128xf32, #tpu.memory_space<hbm>>
    %dma_start3A_412 = arith.constant 0 : i32
    %dma_start3A_413 = arith.constant 0 : i32
    %dma_start3A_414 = tpu.memref_slice %arg6[%dma_start3A_400, %dma_start3A_412, %dma_start3A_413] : memref<4x128x128xf32, #tpu.memory_space<vmem>> -> memref<1x128x128xf32, #tpu.memory_space<vmem>>
    %dma_start3A_415 = tpu.memref_squeeze %dma_start3A_414 : memref<1x128x128xf32, #tpu.memory_space<vmem>> -> memref<128x128xf32, #tpu.memory_space<vmem>>
    tpu.enqueue_dma source(%dma_start3A_415 : memref<128x128xf32, #tpu.memory_space<vmem>>) target(%dma_start3A_411 : memref<128x128xf32, #tpu.memory_space<hbm>>) target_semaphore(%dma_start3A_409 : memref<!tpu.dma_semaphore, #tpu.memory_space<semaphore_mem>>)
    %dma_wait3A_416 = arith.constant 0 : i32
    %dma_wait3A_417 = arith.constant 0 : i32
    %dma_wait3A_418 = arith.constant 0 : i32
    %dma_wait3A_419 = arith.constant 0 : i32
    %dma_wait3A_420 = tpu.memref_slice %arg6[%dma_wait3A_416, %dma_wait3A_418, %dma_wait3A_419] : memref<4x128x128xf32, #tpu.memory_space<vmem>> -> memref<1x128x128xf32, #tpu.memory_space<vmem>>
    %dma_wait3A_421 = tpu.memref_squeeze %dma_wait3A_420 : memref<1x128x128xf32, #tpu.memory_space<vmem>> -> memref<128x128xf32, #tpu.memory_space<vmem>>
    %dma_wait3A_422 = arith.constant 0 : i32
    %dma_wait3A_423 = tpu.memref_slice %arg4[%add3A_271, %dma_wait3A_422] : memref<49152x128xf32, #tpu.memory_space<hbm>> -> memref<128x128xf32, #tpu.memory_space<hbm>>
    %dma_wait3A_424 = tpu.memref_slice %arg8[%dma_wait3A_417] : memref<4x!tpu.dma_semaphore, #tpu.memory_space<semaphore_mem>> -> memref<1x!tpu.dma_semaphore, #tpu.memory_space<semaphore_mem>>
    %dma_wait3A_425 = tpu.memref_squeeze %dma_wait3A_424 : memref<1x!tpu.dma_semaphore, #tpu.memory_space<semaphore_mem>> -> memref<!tpu.dma_semaphore, #tpu.memory_space<semaphore_mem>>
    %dma_wait3A_426 = arith.constant 0 : i32
    %dma_wait3A_427 = tpu.memref_slice %arg4[%add3A_271, %dma_wait3A_426] : memref<49152x128xf32, #tpu.memory_space<hbm>> -> memref<128x128xf32, #tpu.memory_space<hbm>>
    %dma_wait3A_428 = arith.constant 0 : i32
    %dma_wait3A_429 = arith.constant 0 : i32
    %dma_wait3A_430 = tpu.memref_slice %arg6[%dma_wait3A_416, %dma_wait3A_428, %dma_wait3A_429] : memref<4x128x128xf32, #tpu.memory_space<vmem>> -> memref<1x128x128xf32, #tpu.memory_space<vmem>>
    %dma_wait3A_431 = tpu.memref_squeeze %dma_wait3A_430 : memref<1x128x128xf32, #tpu.memory_space<vmem>> -> memref<128x128xf32, #tpu.memory_space<vmem>>
    tpu.wait_dma2 semaphore(%dma_wait3A_425 : memref<!tpu.dma_semaphore, #tpu.memory_space<semaphore_mem>>) src(%dma_wait3A_431 : memref<128x128xf32, #tpu.memory_space<vmem>>) dst(%dma_wait3A_427 : memref<128x128xf32, #tpu.memory_space<hbm>>)
    %dma_start3A_432 = arith.constant 8 : i32
    %dma_start3A_433 = arith.constant 0 : i32
    %dma_start3A_434 = arith.constant 0 : i32
    %dma_start3A_435 = arith.constant 0 : i32
    %dma_start3A_436 = arith.constant 0 : i32
    %dma_start3A_437 = tpu.memref_slice %arg6[%dma_start3A_433, %dma_start3A_435, %dma_start3A_436] : memref<4x128x128xf32, #tpu.memory_space<vmem>> -> memref<1x128x128xf32, #tpu.memory_space<vmem>>
    %dma_start3A_438 = tpu.memref_squeeze %dma_start3A_437 : memref<1x128x128xf32, #tpu.memory_space<vmem>> -> memref<128x128xf32, #tpu.memory_space<vmem>>
    %dma_start3A_439 = arith.constant 0 : i32
    %dma_start3A_440 = tpu.memref_slice %arg5[%dma_start3A_432, %dma_start3A_439] : memref<12x128xi32, #tpu.memory_space<vmem>> -> memref<1x128xi32, #tpu.memory_space<vmem>>
    %dma_start3A_441 = tpu.memref_squeeze %dma_start3A_440 : memref<1x128xi32, #tpu.memory_space<vmem>> -> memref<128xi32, #tpu.memory_space<vmem>>
    %dma_start3A_442 = arith.constant 0 : i32
    %dma_start3A_443 = arith.constant 0 : i32
    %dma_start3A_444 = tpu.memref_slice %arg2[%dma_start3A_442, %dma_start3A_443] : memref<501760x128xf32, #tpu.memory_space<hbm>> -> memref<501760x128xf32, #tpu.memory_space<hbm>>
    %dma_start3A_445 = tpu.memref_slice %arg7[%dma_start3A_434] : memref<4x!tpu.dma_semaphore, #tpu.memory_space<semaphore_mem>> -> memref<1x!tpu.dma_semaphore, #tpu.memory_space<semaphore_mem>>
    %dma_start3A_446 = tpu.memref_squeeze %dma_start3A_445 : memref<1x!tpu.dma_semaphore, #tpu.memory_space<semaphore_mem>> -> memref<!tpu.dma_semaphore, #tpu.memory_space<semaphore_mem>>
    tpu.enqueue_indirect_dma source(%dma_start3A_444 : memref<501760x128xf32, #tpu.memory_space<hbm>>) target(%dma_start3A_438 : memref<128x128xf32, #tpu.memory_space<vmem>>) offsets(%dma_start3A_441 : memref<128xi32, #tpu.memory_space<vmem>>) semaphore(%dma_start3A_446 : memref<!tpu.dma_semaphore, #tpu.memory_space<semaphore_mem>>)
    %dma_wait3A_447 = arith.constant 7 : i32
    %dma_wait3A_448 = arith.constant 3 : i32
    %dma_wait3A_449 = arith.constant 3 : i32
    %dma_wait3A_450 = arith.constant 0 : i32
    %dma_wait3A_451 = arith.constant 0 : i32
    %dma_wait3A_452 = tpu.memref_slice %arg6[%dma_wait3A_448, %dma_wait3A_450, %dma_wait3A_451] : memref<4x128x128xf32, #tpu.memory_space<vmem>> -> memref<1x128x128xf32, #tpu.memory_space<vmem>>
    %dma_wait3A_453 = tpu.memref_squeeze %dma_wait3A_452 : memref<1x128x128xf32, #tpu.memory_space<vmem>> -> memref<128x128xf32, #tpu.memory_space<vmem>>
    %dma_wait3A_454 = arith.constant 0 : i32
    %dma_wait3A_455 = tpu.memref_slice %arg5[%dma_wait3A_447, %dma_wait3A_454] : memref<12x128xi32, #tpu.memory_space<vmem>> -> memref<1x128xi32, #tpu.memory_space<vmem>>
    %dma_wait3A_456 = tpu.memref_squeeze %dma_wait3A_455 : memref<1x128xi32, #tpu.memory_space<vmem>> -> memref<128xi32, #tpu.memory_space<vmem>>
    %dma_wait3A_457 = arith.constant 0 : i32
    %dma_wait3A_458 = arith.constant 0 : i32
    %dma_wait3A_459 = tpu.memref_slice %arg2[%dma_wait3A_457, %dma_wait3A_458] : memref<501760x128xf32, #tpu.memory_space<hbm>> -> memref<501760x128xf32, #tpu.memory_space<hbm>>
    %dma_wait3A_460 = tpu.memref_slice %arg7[%dma_wait3A_449] : memref<4x!tpu.dma_semaphore, #tpu.memory_space<semaphore_mem>> -> memref<1x!tpu.dma_semaphore, #tpu.memory_space<semaphore_mem>>
    %dma_wait3A_461 = tpu.memref_squeeze %dma_wait3A_460 : memref<1x!tpu.dma_semaphore, #tpu.memory_space<semaphore_mem>> -> memref<!tpu.dma_semaphore, #tpu.memory_space<semaphore_mem>>
    tpu.wait_indirect_dma semaphore(%dma_wait3A_461 : memref<!tpu.dma_semaphore, #tpu.memory_space<semaphore_mem>>) src(%dma_wait3A_459 : memref<501760x128xf32, #tpu.memory_space<hbm>>) dst(%dma_wait3A_453 : memref<128x128xf32, #tpu.memory_space<vmem>>)
    %add3A_462 = arith.constant 896 : i32
    %add3A_463 = arith.addi %mul3A_2, %add3A_462 : i32
    %dma_start3A_464 = arith.constant 3 : i32
    %dma_start3A_465 = arith.constant 3 : i32
    %dma_start3A_466 = arith.constant 0 : i32
    %dma_start3A_467 = arith.constant 0 : i32
    %dma_start3A_468 = tpu.memref_slice %arg6[%dma_start3A_464, %dma_start3A_466, %dma_start3A_467] : memref<4x128x128xf32, #tpu.memory_space<vmem>> -> memref<1x128x128xf32, #tpu.memory_space<vmem>>
    %dma_start3A_469 = tpu.memref_squeeze %dma_start3A_468 : memref<1x128x128xf32, #tpu.memory_space<vmem>> -> memref<128x128xf32, #tpu.memory_space<vmem>>
    %dma_start3A_470 = arith.constant 0 : i32
    %dma_start3A_471 = tpu.memref_slice %arg4[%add3A_463, %dma_start3A_470] : memref<49152x128xf32, #tpu.memory_space<hbm>> -> memref<128x128xf32, #tpu.memory_space<hbm>>
    %dma_start3A_472 = tpu.memref_slice %arg8[%dma_start3A_465] : memref<4x!tpu.dma_semaphore, #tpu.memory_space<semaphore_mem>> -> memref<1x!tpu.dma_semaphore, #tpu.memory_space<semaphore_mem>>
    %dma_start3A_473 = tpu.memref_squeeze %dma_start3A_472 : memref<1x!tpu.dma_semaphore, #tpu.memory_space<semaphore_mem>> -> memref<!tpu.dma_semaphore, #tpu.memory_space<semaphore_mem>>
    %dma_start3A_474 = arith.constant 0 : i32
    %dma_start3A_475 = tpu.memref_slice %arg4[%add3A_463, %dma_start3A_474] : memref<49152x128xf32, #tpu.memory_space<hbm>> -> memref<128x128xf32, #tpu.memory_space<hbm>>
    %dma_start3A_476 = arith.constant 0 : i32
    %dma_start3A_477 = arith.constant 0 : i32
    %dma_start3A_478 = tpu.memref_slice %arg6[%dma_start3A_464, %dma_start3A_476, %dma_start3A_477] : memref<4x128x128xf32, #tpu.memory_space<vmem>> -> memref<1x128x128xf32, #tpu.memory_space<vmem>>
    %dma_start3A_479 = tpu.memref_squeeze %dma_start3A_478 : memref<1x128x128xf32, #tpu.memory_space<vmem>> -> memref<128x128xf32, #tpu.memory_space<vmem>>
    tpu.enqueue_dma source(%dma_start3A_479 : memref<128x128xf32, #tpu.memory_space<vmem>>) target(%dma_start3A_475 : memref<128x128xf32, #tpu.memory_space<hbm>>) target_semaphore(%dma_start3A_473 : memref<!tpu.dma_semaphore, #tpu.memory_space<semaphore_mem>>)
    %dma_wait3A_480 = arith.constant 1 : i32
    %dma_wait3A_481 = arith.constant 1 : i32
    %dma_wait3A_482 = arith.constant 0 : i32
    %dma_wait3A_483 = arith.constant 0 : i32
    %dma_wait3A_484 = tpu.memref_slice %arg6[%dma_wait3A_480, %dma_wait3A_482, %dma_wait3A_483] : memref<4x128x128xf32, #tpu.memory_space<vmem>> -> memref<1x128x128xf32, #tpu.memory_space<vmem>>
    %dma_wait3A_485 = tpu.memref_squeeze %dma_wait3A_484 : memref<1x128x128xf32, #tpu.memory_space<vmem>> -> memref<128x128xf32, #tpu.memory_space<vmem>>
    %dma_wait3A_486 = arith.constant 0 : i32
    %dma_wait3A_487 = tpu.memref_slice %arg4[%add3A_335, %dma_wait3A_486] : memref<49152x128xf32, #tpu.memory_space<hbm>> -> memref<128x128xf32, #tpu.memory_space<hbm>>
    %dma_wait3A_488 = tpu.memref_slice %arg8[%dma_wait3A_481] : memref<4x!tpu.dma_semaphore, #tpu.memory_space<semaphore_mem>> -> memref<1x!tpu.dma_semaphore, #tpu.memory_space<semaphore_mem>>
    %dma_wait3A_489 = tpu.memref_squeeze %dma_wait3A_488 : memref<1x!tpu.dma_semaphore, #tpu.memory_space<semaphore_mem>> -> memref<!tpu.dma_semaphore, #tpu.memory_space<semaphore_mem>>
    %dma_wait3A_490 = arith.constant 0 : i32
    %dma_wait3A_491 = tpu.memref_slice %arg4[%add3A_335, %dma_wait3A_490] : memref<49152x128xf32, #tpu.memory_space<hbm>> -> memref<128x128xf32, #tpu.memory_space<hbm>>
    %dma_wait3A_492 = arith.constant 0 : i32
    %dma_wait3A_493 = arith.constant 0 : i32
    %dma_wait3A_494 = tpu.memref_slice %arg6[%dma_wait3A_480, %dma_wait3A_492, %dma_wait3A_493] : memref<4x128x128xf32, #tpu.memory_space<vmem>> -> memref<1x128x128xf32, #tpu.memory_space<vmem>>
    %dma_wait3A_495 = tpu.memref_squeeze %dma_wait3A_494 : memref<1x128x128xf32, #tpu.memory_space<vmem>> -> memref<128x128xf32, #tpu.memory_space<vmem>>
    tpu.wait_dma2 semaphore(%dma_wait3A_489 : memref<!tpu.dma_semaphore, #tpu.memory_space<semaphore_mem>>) src(%dma_wait3A_495 : memref<128x128xf32, #tpu.memory_space<vmem>>) dst(%dma_wait3A_491 : memref<128x128xf32, #tpu.memory_space<hbm>>)
    %dma_start3A_496 = arith.constant 9 : i32
    %dma_start3A_497 = arith.constant 1 : i32
    %dma_start3A_498 = arith.constant 1 : i32
    %dma_start3A_499 = arith.constant 0 : i32
    %dma_start3A_500 = arith.constant 0 : i32
    %dma_start3A_501 = tpu.memref_slice %arg6[%dma_start3A_497, %dma_start3A_499, %dma_start3A_500] : memref<4x128x128xf32, #tpu.memory_space<vmem>> -> memref<1x128x128xf32, #tpu.memory_space<vmem>>
    %dma_start3A_502 = tpu.memref_squeeze %dma_start3A_501 : memref<1x128x128xf32, #tpu.memory_space<vmem>> -> memref<128x128xf32, #tpu.memory_space<vmem>>
    %dma_start3A_503 = arith.constant 0 : i32
    %dma_start3A_504 = tpu.memref_slice %arg5[%dma_start3A_496, %dma_start3A_503] : memref<12x128xi32, #tpu.memory_space<vmem>> -> memref<1x128xi32, #tpu.memory_space<vmem>>
    %dma_start3A_505 = tpu.memref_squeeze %dma_start3A_504 : memref<1x128xi32, #tpu.memory_space<vmem>> -> memref<128xi32, #tpu.memory_space<vmem>>
    %dma_start3A_506 = arith.constant 0 : i32
    %dma_start3A_507 = arith.constant 0 : i32
    %dma_start3A_508 = tpu.memref_slice %arg2[%dma_start3A_506, %dma_start3A_507] : memref<501760x128xf32, #tpu.memory_space<hbm>> -> memref<501760x128xf32, #tpu.memory_space<hbm>>
    %dma_start3A_509 = tpu.memref_slice %arg7[%dma_start3A_498] : memref<4x!tpu.dma_semaphore, #tpu.memory_space<semaphore_mem>> -> memref<1x!tpu.dma_semaphore, #tpu.memory_space<semaphore_mem>>
    %dma_start3A_510 = tpu.memref_squeeze %dma_start3A_509 : memref<1x!tpu.dma_semaphore, #tpu.memory_space<semaphore_mem>> -> memref<!tpu.dma_semaphore, #tpu.memory_space<semaphore_mem>>
    tpu.enqueue_indirect_dma source(%dma_start3A_508 : memref<501760x128xf32, #tpu.memory_space<hbm>>) target(%dma_start3A_502 : memref<128x128xf32, #tpu.memory_space<vmem>>) offsets(%dma_start3A_505 : memref<128xi32, #tpu.memory_space<vmem>>) semaphore(%dma_start3A_510 : memref<!tpu.dma_semaphore, #tpu.memory_space<semaphore_mem>>)
    %dma_wait3A_511 = arith.constant 8 : i32
    %dma_wait3A_512 = arith.constant 0 : i32
    %dma_wait3A_513 = arith.constant 0 : i32
    %dma_wait3A_514 = arith.constant 0 : i32
    %dma_wait3A_515 = arith.constant 0 : i32
    %dma_wait3A_516 = tpu.memref_slice %arg6[%dma_wait3A_512, %dma_wait3A_514, %dma_wait3A_515] : memref<4x128x128xf32, #tpu.memory_space<vmem>> -> memref<1x128x128xf32, #tpu.memory_space<vmem>>
    %dma_wait3A_517 = tpu.memref_squeeze %dma_wait3A_516 : memref<1x128x128xf32, #tpu.memory_space<vmem>> -> memref<128x128xf32, #tpu.memory_space<vmem>>
    %dma_wait3A_518 = arith.constant 0 : i32
    %dma_wait3A_519 = tpu.memref_slice %arg5[%dma_wait3A_511, %dma_wait3A_518] : memref<12x128xi32, #tpu.memory_space<vmem>> -> memref<1x128xi32, #tpu.memory_space<vmem>>
    %dma_wait3A_520 = tpu.memref_squeeze %dma_wait3A_519 : memref<1x128xi32, #tpu.memory_space<vmem>> -> memref<128xi32, #tpu.memory_space<vmem>>
    %dma_wait3A_521 = arith.constant 0 : i32
    %dma_wait3A_522 = arith.constant 0 : i32
    %dma_wait3A_523 = tpu.memref_slice %arg2[%dma_wait3A_521, %dma_wait3A_522] : memref<501760x128xf32, #tpu.memory_space<hbm>> -> memref<501760x128xf32, #tpu.memory_space<hbm>>
    %dma_wait3A_524 = tpu.memref_slice %arg7[%dma_wait3A_513] : memref<4x!tpu.dma_semaphore, #tpu.memory_space<semaphore_mem>> -> memref<1x!tpu.dma_semaphore, #tpu.memory_space<semaphore_mem>>
    %dma_wait3A_525 = tpu.memref_squeeze %dma_wait3A_524 : memref<1x!tpu.dma_semaphore, #tpu.memory_space<semaphore_mem>> -> memref<!tpu.dma_semaphore, #tpu.memory_space<semaphore_mem>>
    tpu.wait_indirect_dma semaphore(%dma_wait3A_525 : memref<!tpu.dma_semaphore, #tpu.memory_space<semaphore_mem>>) src(%dma_wait3A_523 : memref<501760x128xf32, #tpu.memory_space<hbm>>) dst(%dma_wait3A_517 : memref<128x128xf32, #tpu.memory_space<vmem>>)
    %add3A_526 = arith.constant 1024 : i32
    %add3A_527 = arith.addi %mul3A_2, %add3A_526 : i32
    %dma_start3A_528 = arith.constant 0 : i32
    %dma_start3A_529 = arith.constant 0 : i32
    %dma_start3A_530 = arith.constant 0 : i32
    %dma_start3A_531 = arith.constant 0 : i32
    %dma_start3A_532 = tpu.memref_slice %arg6[%dma_start3A_528, %dma_start3A_530, %dma_start3A_531] : memref<4x128x128xf32, #tpu.memory_space<vmem>> -> memref<1x128x128xf32, #tpu.memory_space<vmem>>
    %dma_start3A_533 = tpu.memref_squeeze %dma_start3A_532 : memref<1x128x128xf32, #tpu.memory_space<vmem>> -> memref<128x128xf32, #tpu.memory_space<vmem>>
    %dma_start3A_534 = arith.constant 0 : i32
    %dma_start3A_535 = tpu.memref_slice %arg4[%add3A_527, %dma_start3A_534] : memref<49152x128xf32, #tpu.memory_space<hbm>> -> memref<128x128xf32, #tpu.memory_space<hbm>>
    %dma_start3A_536 = tpu.memref_slice %arg8[%dma_start3A_529] : memref<4x!tpu.dma_semaphore, #tpu.memory_space<semaphore_mem>> -> memref<1x!tpu.dma_semaphore, #tpu.memory_space<semaphore_mem>>
    %dma_start3A_537 = tpu.memref_squeeze %dma_start3A_536 : memref<1x!tpu.dma_semaphore, #tpu.memory_space<semaphore_mem>> -> memref<!tpu.dma_semaphore, #tpu.memory_space<semaphore_mem>>
    %dma_start3A_538 = arith.constant 0 : i32
    %dma_start3A_539 = tpu.memref_slice %arg4[%add3A_527, %dma_start3A_538] : memref<49152x128xf32, #tpu.memory_space<hbm>> -> memref<128x128xf32, #tpu.memory_space<hbm>>
    %dma_start3A_540 = arith.constant 0 : i32
    %dma_start3A_541 = arith.constant 0 : i32
    %dma_start3A_542 = tpu.memref_slice %arg6[%dma_start3A_528, %dma_start3A_540, %dma_start3A_541] : memref<4x128x128xf32, #tpu.memory_space<vmem>> -> memref<1x128x128xf32, #tpu.memory_space<vmem>>
    %dma_start3A_543 = tpu.memref_squeeze %dma_start3A_542 : memref<1x128x128xf32, #tpu.memory_space<vmem>> -> memref<128x128xf32, #tpu.memory_space<vmem>>
    tpu.enqueue_dma source(%dma_start3A_543 : memref<128x128xf32, #tpu.memory_space<vmem>>) target(%dma_start3A_539 : memref<128x128xf32, #tpu.memory_space<hbm>>) target_semaphore(%dma_start3A_537 : memref<!tpu.dma_semaphore, #tpu.memory_space<semaphore_mem>>)
    %dma_wait3A_544 = arith.constant 2 : i32
    %dma_wait3A_545 = arith.constant 2 : i32
    %dma_wait3A_546 = arith.constant 0 : i32
    %dma_wait3A_547 = arith.constant 0 : i32
    %dma_wait3A_548 = tpu.memref_slice %arg6[%dma_wait3A_544, %dma_wait3A_546, %dma_wait3A_547] : memref<4x128x128xf32, #tpu.memory_space<vmem>> -> memref<1x128x128xf32, #tpu.memory_space<vmem>>
    %dma_wait3A_549 = tpu.memref_squeeze %dma_wait3A_548 : memref<1x128x128xf32, #tpu.memory_space<vmem>> -> memref<128x128xf32, #tpu.memory_space<vmem>>
    %dma_wait3A_550 = arith.constant 0 : i32
    %dma_wait3A_551 = tpu.memref_slice %arg4[%add3A_399, %dma_wait3A_550] : memref<49152x128xf32, #tpu.memory_space<hbm>> -> memref<128x128xf32, #tpu.memory_space<hbm>>
    %dma_wait3A_552 = tpu.memref_slice %arg8[%dma_wait3A_545] : memref<4x!tpu.dma_semaphore, #tpu.memory_space<semaphore_mem>> -> memref<1x!tpu.dma_semaphore, #tpu.memory_space<semaphore_mem>>
    %dma_wait3A_553 = tpu.memref_squeeze %dma_wait3A_552 : memref<1x!tpu.dma_semaphore, #tpu.memory_space<semaphore_mem>> -> memref<!tpu.dma_semaphore, #tpu.memory_space<semaphore_mem>>
    %dma_wait3A_554 = arith.constant 0 : i32
    %dma_wait3A_555 = tpu.memref_slice %arg4[%add3A_399, %dma_wait3A_554] : memref<49152x128xf32, #tpu.memory_space<hbm>> -> memref<128x128xf32, #tpu.memory_space<hbm>>
    %dma_wait3A_556 = arith.constant 0 : i32
    %dma_wait3A_557 = arith.constant 0 : i32
    %dma_wait3A_558 = tpu.memref_slice %arg6[%dma_wait3A_544, %dma_wait3A_556, %dma_wait3A_557] : memref<4x128x128xf32, #tpu.memory_space<vmem>> -> memref<1x128x128xf32, #tpu.memory_space<vmem>>
    %dma_wait3A_559 = tpu.memref_squeeze %dma_wait3A_558 : memref<1x128x128xf32, #tpu.memory_space<vmem>> -> memref<128x128xf32, #tpu.memory_space<vmem>>
    tpu.wait_dma2 semaphore(%dma_wait3A_553 : memref<!tpu.dma_semaphore, #tpu.memory_space<semaphore_mem>>) src(%dma_wait3A_559 : memref<128x128xf32, #tpu.memory_space<vmem>>) dst(%dma_wait3A_555 : memref<128x128xf32, #tpu.memory_space<hbm>>)
    %dma_start3A_560 = arith.constant 10 : i32
    %dma_start3A_561 = arith.constant 2 : i32
    %dma_start3A_562 = arith.constant 2 : i32
    %dma_start3A_563 = arith.constant 0 : i32
    %dma_start3A_564 = arith.constant 0 : i32
    %dma_start3A_565 = tpu.memref_slice %arg6[%dma_start3A_561, %dma_start3A_563, %dma_start3A_564] : memref<4x128x128xf32, #tpu.memory_space<vmem>> -> memref<1x128x128xf32, #tpu.memory_space<vmem>>
    %dma_start3A_566 = tpu.memref_squeeze %dma_start3A_565 : memref<1x128x128xf32, #tpu.memory_space<vmem>> -> memref<128x128xf32, #tpu.memory_space<vmem>>
    %dma_start3A_567 = arith.constant 0 : i32
    %dma_start3A_568 = tpu.memref_slice %arg5[%dma_start3A_560, %dma_start3A_567] : memref<12x128xi32, #tpu.memory_space<vmem>> -> memref<1x128xi32, #tpu.memory_space<vmem>>
    %dma_start3A_569 = tpu.memref_squeeze %dma_start3A_568 : memref<1x128xi32, #tpu.memory_space<vmem>> -> memref<128xi32, #tpu.memory_space<vmem>>
    %dma_start3A_570 = arith.constant 0 : i32
    %dma_start3A_571 = arith.constant 0 : i32
    %dma_start3A_572 = tpu.memref_slice %arg2[%dma_start3A_570, %dma_start3A_571] : memref<501760x128xf32, #tpu.memory_space<hbm>> -> memref<501760x128xf32, #tpu.memory_space<hbm>>
    %dma_start3A_573 = tpu.memref_slice %arg7[%dma_start3A_562] : memref<4x!tpu.dma_semaphore, #tpu.memory_space<semaphore_mem>> -> memref<1x!tpu.dma_semaphore, #tpu.memory_space<semaphore_mem>>
    %dma_start3A_574 = tpu.memref_squeeze %dma_start3A_573 : memref<1x!tpu.dma_semaphore, #tpu.memory_space<semaphore_mem>> -> memref<!tpu.dma_semaphore, #tpu.memory_space<semaphore_mem>>
    tpu.enqueue_indirect_dma source(%dma_start3A_572 : memref<501760x128xf32, #tpu.memory_space<hbm>>) target(%dma_start3A_566 : memref<128x128xf32, #tpu.memory_space<vmem>>) offsets(%dma_start3A_569 : memref<128xi32, #tpu.memory_space<vmem>>) semaphore(%dma_start3A_574 : memref<!tpu.dma_semaphore, #tpu.memory_space<semaphore_mem>>)
    %dma_wait3A_575 = arith.constant 9 : i32
    %dma_wait3A_576 = arith.constant 1 : i32
    %dma_wait3A_577 = arith.constant 1 : i32
    %dma_wait3A_578 = arith.constant 0 : i32
    %dma_wait3A_579 = arith.constant 0 : i32
    %dma_wait3A_580 = tpu.memref_slice %arg6[%dma_wait3A_576, %dma_wait3A_578, %dma_wait3A_579] : memref<4x128x128xf32, #tpu.memory_space<vmem>> -> memref<1x128x128xf32, #tpu.memory_space<vmem>>
    %dma_wait3A_581 = tpu.memref_squeeze %dma_wait3A_580 : memref<1x128x128xf32, #tpu.memory_space<vmem>> -> memref<128x128xf32, #tpu.memory_space<vmem>>
    %dma_wait3A_582 = arith.constant 0 : i32
    %dma_wait3A_583 = tpu.memref_slice %arg5[%dma_wait3A_575, %dma_wait3A_582] : memref<12x128xi32, #tpu.memory_space<vmem>> -> memref<1x128xi32, #tpu.memory_space<vmem>>
    %dma_wait3A_584 = tpu.memref_squeeze %dma_wait3A_583 : memref<1x128xi32, #tpu.memory_space<vmem>> -> memref<128xi32, #tpu.memory_space<vmem>>
    %dma_wait3A_585 = arith.constant 0 : i32
    %dma_wait3A_586 = arith.constant 0 : i32
    %dma_wait3A_587 = tpu.memref_slice %arg2[%dma_wait3A_585, %dma_wait3A_586] : memref<501760x128xf32, #tpu.memory_space<hbm>> -> memref<501760x128xf32, #tpu.memory_space<hbm>>
    %dma_wait3A_588 = tpu.memref_slice %arg7[%dma_wait3A_577] : memref<4x!tpu.dma_semaphore, #tpu.memory_space<semaphore_mem>> -> memref<1x!tpu.dma_semaphore, #tpu.memory_space<semaphore_mem>>
    %dma_wait3A_589 = tpu.memref_squeeze %dma_wait3A_588 : memref<1x!tpu.dma_semaphore, #tpu.memory_space<semaphore_mem>> -> memref<!tpu.dma_semaphore, #tpu.memory_space<semaphore_mem>>
    tpu.wait_indirect_dma semaphore(%dma_wait3A_589 : memref<!tpu.dma_semaphore, #tpu.memory_space<semaphore_mem>>) src(%dma_wait3A_587 : memref<501760x128xf32, #tpu.memory_space<hbm>>) dst(%dma_wait3A_581 : memref<128x128xf32, #tpu.memory_space<vmem>>)
    %add3A_590 = arith.constant 1152 : i32
    %add3A_591 = arith.addi %mul3A_2, %add3A_590 : i32
    %dma_start3A_592 = arith.constant 1 : i32
    %dma_start3A_593 = arith.constant 1 : i32
    %dma_start3A_594 = arith.constant 0 : i32
    %dma_start3A_595 = arith.constant 0 : i32
    %dma_start3A_596 = tpu.memref_slice %arg6[%dma_start3A_592, %dma_start3A_594, %dma_start3A_595] : memref<4x128x128xf32, #tpu.memory_space<vmem>> -> memref<1x128x128xf32, #tpu.memory_space<vmem>>
    %dma_start3A_597 = tpu.memref_squeeze %dma_start3A_596 : memref<1x128x128xf32, #tpu.memory_space<vmem>> -> memref<128x128xf32, #tpu.memory_space<vmem>>
    %dma_start3A_598 = arith.constant 0 : i32
    %dma_start3A_599 = tpu.memref_slice %arg4[%add3A_591, %dma_start3A_598] : memref<49152x128xf32, #tpu.memory_space<hbm>> -> memref<128x128xf32, #tpu.memory_space<hbm>>
    %dma_start3A_600 = tpu.memref_slice %arg8[%dma_start3A_593] : memref<4x!tpu.dma_semaphore, #tpu.memory_space<semaphore_mem>> -> memref<1x!tpu.dma_semaphore, #tpu.memory_space<semaphore_mem>>
    %dma_start3A_601 = tpu.memref_squeeze %dma_start3A_600 : memref<1x!tpu.dma_semaphore, #tpu.memory_space<semaphore_mem>> -> memref<!tpu.dma_semaphore, #tpu.memory_space<semaphore_mem>>
    %dma_start3A_602 = arith.constant 0 : i32
    %dma_start3A_603 = tpu.memref_slice %arg4[%add3A_591, %dma_start3A_602] : memref<49152x128xf32, #tpu.memory_space<hbm>> -> memref<128x128xf32, #tpu.memory_space<hbm>>
    %dma_start3A_604 = arith.constant 0 : i32
    %dma_start3A_605 = arith.constant 0 : i32
    %dma_start3A_606 = tpu.memref_slice %arg6[%dma_start3A_592, %dma_start3A_604, %dma_start3A_605] : memref<4x128x128xf32, #tpu.memory_space<vmem>> -> memref<1x128x128xf32, #tpu.memory_space<vmem>>
    %dma_start3A_607 = tpu.memref_squeeze %dma_start3A_606 : memref<1x128x128xf32, #tpu.memory_space<vmem>> -> memref<128x128xf32, #tpu.memory_space<vmem>>
    tpu.enqueue_dma source(%dma_start3A_607 : memref<128x128xf32, #tpu.memory_space<vmem>>) target(%dma_start3A_603 : memref<128x128xf32, #tpu.memory_space<hbm>>) target_semaphore(%dma_start3A_601 : memref<!tpu.dma_semaphore, #tpu.memory_space<semaphore_mem>>)
    %dma_wait3A_608 = arith.constant 3 : i32
    %dma_wait3A_609 = arith.constant 3 : i32
    %dma_wait3A_610 = arith.constant 0 : i32
    %dma_wait3A_611 = arith.constant 0 : i32
    %dma_wait3A_612 = tpu.memref_slice %arg6[%dma_wait3A_608, %dma_wait3A_610, %dma_wait3A_611] : memref<4x128x128xf32, #tpu.memory_space<vmem>> -> memref<1x128x128xf32, #tpu.memory_space<vmem>>
    %dma_wait3A_613 = tpu.memref_squeeze %dma_wait3A_612 : memref<1x128x128xf32, #tpu.memory_space<vmem>> -> memref<128x128xf32, #tpu.memory_space<vmem>>
    %dma_wait3A_614 = arith.constant 0 : i32
    %dma_wait3A_615 = tpu.memref_slice %arg4[%add3A_463, %dma_wait3A_614] : memref<49152x128xf32, #tpu.memory_space<hbm>> -> memref<128x128xf32, #tpu.memory_space<hbm>>
    %dma_wait3A_616 = tpu.memref_slice %arg8[%dma_wait3A_609] : memref<4x!tpu.dma_semaphore, #tpu.memory_space<semaphore_mem>> -> memref<1x!tpu.dma_semaphore, #tpu.memory_space<semaphore_mem>>
    %dma_wait3A_617 = tpu.memref_squeeze %dma_wait3A_616 : memref<1x!tpu.dma_semaphore, #tpu.memory_space<semaphore_mem>> -> memref<!tpu.dma_semaphore, #tpu.memory_space<semaphore_mem>>
    %dma_wait3A_618 = arith.constant 0 : i32
    %dma_wait3A_619 = tpu.memref_slice %arg4[%add3A_463, %dma_wait3A_618] : memref<49152x128xf32, #tpu.memory_space<hbm>> -> memref<128x128xf32, #tpu.memory_space<hbm>>
    %dma_wait3A_620 = arith.constant 0 : i32
    %dma_wait3A_621 = arith.constant 0 : i32
    %dma_wait3A_622 = tpu.memref_slice %arg6[%dma_wait3A_608, %dma_wait3A_620, %dma_wait3A_621] : memref<4x128x128xf32, #tpu.memory_space<vmem>> -> memref<1x128x128xf32, #tpu.memory_space<vmem>>
    %dma_wait3A_623 = tpu.memref_squeeze %dma_wait3A_622 : memref<1x128x128xf32, #tpu.memory_space<vmem>> -> memref<128x128xf32, #tpu.memory_space<vmem>>
    tpu.wait_dma2 semaphore(%dma_wait3A_617 : memref<!tpu.dma_semaphore, #tpu.memory_space<semaphore_mem>>) src(%dma_wait3A_623 : memref<128x128xf32, #tpu.memory_space<vmem>>) dst(%dma_wait3A_619 : memref<128x128xf32, #tpu.memory_space<hbm>>)
    %dma_start3A_624 = arith.constant 11 : i32
    %dma_start3A_625 = arith.constant 3 : i32
    %dma_start3A_626 = arith.constant 3 : i32
    %dma_start3A_627 = arith.constant 0 : i32
    %dma_start3A_628 = arith.constant 0 : i32
    %dma_start3A_629 = tpu.memref_slice %arg6[%dma_start3A_625, %dma_start3A_627, %dma_start3A_628] : memref<4x128x128xf32, #tpu.memory_space<vmem>> -> memref<1x128x128xf32, #tpu.memory_space<vmem>>
    %dma_start3A_630 = tpu.memref_squeeze %dma_start3A_629 : memref<1x128x128xf32, #tpu.memory_space<vmem>> -> memref<128x128xf32, #tpu.memory_space<vmem>>
    %dma_start3A_631 = arith.constant 0 : i32
    %dma_start3A_632 = tpu.memref_slice %arg5[%dma_start3A_624, %dma_start3A_631] : memref<12x128xi32, #tpu.memory_space<vmem>> -> memref<1x128xi32, #tpu.memory_space<vmem>>
    %dma_start3A_633 = tpu.memref_squeeze %dma_start3A_632 : memref<1x128xi32, #tpu.memory_space<vmem>> -> memref<128xi32, #tpu.memory_space<vmem>>
    %dma_start3A_634 = arith.constant 0 : i32
    %dma_start3A_635 = arith.constant 0 : i32
    %dma_start3A_636 = tpu.memref_slice %arg2[%dma_start3A_634, %dma_start3A_635] : memref<501760x128xf32, #tpu.memory_space<hbm>> -> memref<501760x128xf32, #tpu.memory_space<hbm>>
    %dma_start3A_637 = tpu.memref_slice %arg7[%dma_start3A_626] : memref<4x!tpu.dma_semaphore, #tpu.memory_space<semaphore_mem>> -> memref<1x!tpu.dma_semaphore, #tpu.memory_space<semaphore_mem>>
    %dma_start3A_638 = tpu.memref_squeeze %dma_start3A_637 : memref<1x!tpu.dma_semaphore, #tpu.memory_space<semaphore_mem>> -> memref<!tpu.dma_semaphore, #tpu.memory_space<semaphore_mem>>
    tpu.enqueue_indirect_dma source(%dma_start3A_636 : memref<501760x128xf32, #tpu.memory_space<hbm>>) target(%dma_start3A_630 : memref<128x128xf32, #tpu.memory_space<vmem>>) offsets(%dma_start3A_633 : memref<128xi32, #tpu.memory_space<vmem>>) semaphore(%dma_start3A_638 : memref<!tpu.dma_semaphore, #tpu.memory_space<semaphore_mem>>)
    %dma_wait3A_639 = arith.constant 10 : i32
    %dma_wait3A_640 = arith.constant 2 : i32
    %dma_wait3A_641 = arith.constant 2 : i32
    %dma_wait3A_642 = arith.constant 0 : i32
    %dma_wait3A_643 = arith.constant 0 : i32
    %dma_wait3A_644 = tpu.memref_slice %arg6[%dma_wait3A_640, %dma_wait3A_642, %dma_wait3A_643] : memref<4x128x128xf32, #tpu.memory_space<vmem>> -> memref<1x128x128xf32, #tpu.memory_space<vmem>>
    %dma_wait3A_645 = tpu.memref_squeeze %dma_wait3A_644 : memref<1x128x128xf32, #tpu.memory_space<vmem>> -> memref<128x128xf32, #tpu.memory_space<vmem>>
    %dma_wait3A_646 = arith.constant 0 : i32
    %dma_wait3A_647 = tpu.memref_slice %arg5[%dma_wait3A_639, %dma_wait3A_646] : memref<12x128xi32, #tpu.memory_space<vmem>> -> memref<1x128xi32, #tpu.memory_space<vmem>>
    %dma_wait3A_648 = tpu.memref_squeeze %dma_wait3A_647 : memref<1x128xi32, #tpu.memory_space<vmem>> -> memref<128xi32, #tpu.memory_space<vmem>>
    %dma_wait3A_649 = arith.constant 0 : i32
    %dma_wait3A_650 = arith.constant 0 : i32
    %dma_wait3A_651 = tpu.memref_slice %arg2[%dma_wait3A_649, %dma_wait3A_650] : memref<501760x128xf32, #tpu.memory_space<hbm>> -> memref<501760x128xf32, #tpu.memory_space<hbm>>
    %dma_wait3A_652 = tpu.memref_slice %arg7[%dma_wait3A_641] : memref<4x!tpu.dma_semaphore, #tpu.memory_space<semaphore_mem>> -> memref<1x!tpu.dma_semaphore, #tpu.memory_space<semaphore_mem>>
    %dma_wait3A_653 = tpu.memref_squeeze %dma_wait3A_652 : memref<1x!tpu.dma_semaphore, #tpu.memory_space<semaphore_mem>> -> memref<!tpu.dma_semaphore, #tpu.memory_space<semaphore_mem>>
    tpu.wait_indirect_dma semaphore(%dma_wait3A_653 : memref<!tpu.dma_semaphore, #tpu.memory_space<semaphore_mem>>) src(%dma_wait3A_651 : memref<501760x128xf32, #tpu.memory_space<hbm>>) dst(%dma_wait3A_645 : memref<128x128xf32, #tpu.memory_space<vmem>>)
    %add3A_654 = arith.constant 1280 : i32
    %add3A_655 = arith.addi %mul3A_2, %add3A_654 : i32
    %dma_start3A_656 = arith.constant 2 : i32
    %dma_start3A_657 = arith.constant 2 : i32
    %dma_start3A_658 = arith.constant 0 : i32
    %dma_start3A_659 = arith.constant 0 : i32
    %dma_start3A_660 = tpu.memref_slice %arg6[%dma_start3A_656, %dma_start3A_658, %dma_start3A_659] : memref<4x128x128xf32, #tpu.memory_space<vmem>> -> memref<1x128x128xf32, #tpu.memory_space<vmem>>
    %dma_start3A_661 = tpu.memref_squeeze %dma_start3A_660 : memref<1x128x128xf32, #tpu.memory_space<vmem>> -> memref<128x128xf32, #tpu.memory_space<vmem>>
    %dma_start3A_662 = arith.constant 0 : i32
    %dma_start3A_663 = tpu.memref_slice %arg4[%add3A_655, %dma_start3A_662] : memref<49152x128xf32, #tpu.memory_space<hbm>> -> memref<128x128xf32, #tpu.memory_space<hbm>>
    %dma_start3A_664 = tpu.memref_slice %arg8[%dma_start3A_657] : memref<4x!tpu.dma_semaphore, #tpu.memory_space<semaphore_mem>> -> memref<1x!tpu.dma_semaphore, #tpu.memory_space<semaphore_mem>>
    %dma_start3A_665 = tpu.memref_squeeze %dma_start3A_664 : memref<1x!tpu.dma_semaphore, #tpu.memory_space<semaphore_mem>> -> memref<!tpu.dma_semaphore, #tpu.memory_space<semaphore_mem>>
    %dma_start3A_666 = arith.constant 0 : i32
    %dma_start3A_667 = tpu.memref_slice %arg4[%add3A_655, %dma_start3A_666] : memref<49152x128xf32, #tpu.memory_space<hbm>> -> memref<128x128xf32, #tpu.memory_space<hbm>>
    %dma_start3A_668 = arith.constant 0 : i32
    %dma_start3A_669 = arith.constant 0 : i32
    %dma_start3A_670 = tpu.memref_slice %arg6[%dma_start3A_656, %dma_start3A_668, %dma_start3A_669] : memref<4x128x128xf32, #tpu.memory_space<vmem>> -> memref<1x128x128xf32, #tpu.memory_space<vmem>>
    %dma_start3A_671 = tpu.memref_squeeze %dma_start3A_670 : memref<1x128x128xf32, #tpu.memory_space<vmem>> -> memref<128x128xf32, #tpu.memory_space<vmem>>
    tpu.enqueue_dma source(%dma_start3A_671 : memref<128x128xf32, #tpu.memory_space<vmem>>) target(%dma_start3A_667 : memref<128x128xf32, #tpu.memory_space<hbm>>) target_semaphore(%dma_start3A_665 : memref<!tpu.dma_semaphore, #tpu.memory_space<semaphore_mem>>)
    %dma_wait3A_672 = arith.constant 0 : i32
    %dma_wait3A_673 = arith.constant 0 : i32
    %dma_wait3A_674 = arith.constant 0 : i32
    %dma_wait3A_675 = arith.constant 0 : i32
    %dma_wait3A_676 = tpu.memref_slice %arg6[%dma_wait3A_672, %dma_wait3A_674, %dma_wait3A_675] : memref<4x128x128xf32, #tpu.memory_space<vmem>> -> memref<1x128x128xf32, #tpu.memory_space<vmem>>
    %dma_wait3A_677 = tpu.memref_squeeze %dma_wait3A_676 : memref<1x128x128xf32, #tpu.memory_space<vmem>> -> memref<128x128xf32, #tpu.memory_space<vmem>>
    %dma_wait3A_678 = arith.constant 0 : i32
    %dma_wait3A_679 = tpu.memref_slice %arg4[%add3A_527, %dma_wait3A_678] : memref<49152x128xf32, #tpu.memory_space<hbm>> -> memref<128x128xf32, #tpu.memory_space<hbm>>
    %dma_wait3A_680 = tpu.memref_slice %arg8[%dma_wait3A_673] : memref<4x!tpu.dma_semaphore, #tpu.memory_space<semaphore_mem>> -> memref<1x!tpu.dma_semaphore, #tpu.memory_space<semaphore_mem>>
    %dma_wait3A_681 = tpu.memref_squeeze %dma_wait3A_680 : memref<1x!tpu.dma_semaphore, #tpu.memory_space<semaphore_mem>> -> memref<!tpu.dma_semaphore, #tpu.memory_space<semaphore_mem>>
    %dma_wait3A_682 = arith.constant 0 : i32
    %dma_wait3A_683 = tpu.memref_slice %arg4[%add3A_527, %dma_wait3A_682] : memref<49152x128xf32, #tpu.memory_space<hbm>> -> memref<128x128xf32, #tpu.memory_space<hbm>>
    %dma_wait3A_684 = arith.constant 0 : i32
    %dma_wait3A_685 = arith.constant 0 : i32
    %dma_wait3A_686 = tpu.memref_slice %arg6[%dma_wait3A_672, %dma_wait3A_684, %dma_wait3A_685] : memref<4x128x128xf32, #tpu.memory_space<vmem>> -> memref<1x128x128xf32, #tpu.memory_space<vmem>>
    %dma_wait3A_687 = tpu.memref_squeeze %dma_wait3A_686 : memref<1x128x128xf32, #tpu.memory_space<vmem>> -> memref<128x128xf32, #tpu.memory_space<vmem>>
    tpu.wait_dma2 semaphore(%dma_wait3A_681 : memref<!tpu.dma_semaphore, #tpu.memory_space<semaphore_mem>>) src(%dma_wait3A_687 : memref<128x128xf32, #tpu.memory_space<vmem>>) dst(%dma_wait3A_683 : memref<128x128xf32, #tpu.memory_space<hbm>>)
    %dma_wait3A_688 = arith.constant 11 : i32
    %dma_wait3A_689 = arith.constant 3 : i32
    %dma_wait3A_690 = arith.constant 3 : i32
    %dma_wait3A_691 = arith.constant 0 : i32
    %dma_wait3A_692 = arith.constant 0 : i32
    %dma_wait3A_693 = tpu.memref_slice %arg6[%dma_wait3A_689, %dma_wait3A_691, %dma_wait3A_692] : memref<4x128x128xf32, #tpu.memory_space<vmem>> -> memref<1x128x128xf32, #tpu.memory_space<vmem>>
    %dma_wait3A_694 = tpu.memref_squeeze %dma_wait3A_693 : memref<1x128x128xf32, #tpu.memory_space<vmem>> -> memref<128x128xf32, #tpu.memory_space<vmem>>
    %dma_wait3A_695 = arith.constant 0 : i32
    %dma_wait3A_696 = tpu.memref_slice %arg5[%dma_wait3A_688, %dma_wait3A_695] : memref<12x128xi32, #tpu.memory_space<vmem>> -> memref<1x128xi32, #tpu.memory_space<vmem>>
    %dma_wait3A_697 = tpu.memref_squeeze %dma_wait3A_696 : memref<1x128xi32, #tpu.memory_space<vmem>> -> memref<128xi32, #tpu.memory_space<vmem>>
    %dma_wait3A_698 = arith.constant 0 : i32
    %dma_wait3A_699 = arith.constant 0 : i32
    %dma_wait3A_700 = tpu.memref_slice %arg2[%dma_wait3A_698, %dma_wait3A_699] : memref<501760x128xf32, #tpu.memory_space<hbm>> -> memref<501760x128xf32, #tpu.memory_space<hbm>>
    %dma_wait3A_701 = tpu.memref_slice %arg7[%dma_wait3A_690] : memref<4x!tpu.dma_semaphore, #tpu.memory_space<semaphore_mem>> -> memref<1x!tpu.dma_semaphore, #tpu.memory_space<semaphore_mem>>
    %dma_wait3A_702 = tpu.memref_squeeze %dma_wait3A_701 : memref<1x!tpu.dma_semaphore, #tpu.memory_space<semaphore_mem>> -> memref<!tpu.dma_semaphore, #tpu.memory_space<semaphore_mem>>
    tpu.wait_indirect_dma semaphore(%dma_wait3A_702 : memref<!tpu.dma_semaphore, #tpu.memory_space<semaphore_mem>>) src(%dma_wait3A_700 : memref<501760x128xf32, #tpu.memory_space<hbm>>) dst(%dma_wait3A_694 : memref<128x128xf32, #tpu.memory_space<vmem>>)
    %add3A_703 = arith.constant 1408 : i32
    %add3A_704 = arith.addi %mul3A_2, %add3A_703 : i32
    %dma_start3A_705 = arith.constant 3 : i32
    %dma_start3A_706 = arith.constant 3 : i32
    %dma_start3A_707 = arith.constant 0 : i32
    %dma_start3A_708 = arith.constant 0 : i32
    %dma_start3A_709 = tpu.memref_slice %arg6[%dma_start3A_705, %dma_start3A_707, %dma_start3A_708] : memref<4x128x128xf32, #tpu.memory_space<vmem>> -> memref<1x128x128xf32, #tpu.memory_space<vmem>>
    %dma_start3A_710 = tpu.memref_squeeze %dma_start3A_709 : memref<1x128x128xf32, #tpu.memory_space<vmem>> -> memref<128x128xf32, #tpu.memory_space<vmem>>
    %dma_start3A_711 = arith.constant 0 : i32
    %dma_start3A_712 = tpu.memref_slice %arg4[%add3A_704, %dma_start3A_711] : memref<49152x128xf32, #tpu.memory_space<hbm>> -> memref<128x128xf32, #tpu.memory_space<hbm>>
    %dma_start3A_713 = tpu.memref_slice %arg8[%dma_start3A_706] : memref<4x!tpu.dma_semaphore, #tpu.memory_space<semaphore_mem>> -> memref<1x!tpu.dma_semaphore, #tpu.memory_space<semaphore_mem>>
    %dma_start3A_714 = tpu.memref_squeeze %dma_start3A_713 : memref<1x!tpu.dma_semaphore, #tpu.memory_space<semaphore_mem>> -> memref<!tpu.dma_semaphore, #tpu.memory_space<semaphore_mem>>
    %dma_start3A_715 = arith.constant 0 : i32
    %dma_start3A_716 = tpu.memref_slice %arg4[%add3A_704, %dma_start3A_715] : memref<49152x128xf32, #tpu.memory_space<hbm>> -> memref<128x128xf32, #tpu.memory_space<hbm>>
    %dma_start3A_717 = arith.constant 0 : i32
    %dma_start3A_718 = arith.constant 0 : i32
    %dma_start3A_719 = tpu.memref_slice %arg6[%dma_start3A_705, %dma_start3A_717, %dma_start3A_718] : memref<4x128x128xf32, #tpu.memory_space<vmem>> -> memref<1x128x128xf32, #tpu.memory_space<vmem>>
    %dma_start3A_720 = tpu.memref_squeeze %dma_start3A_719 : memref<1x128x128xf32, #tpu.memory_space<vmem>> -> memref<128x128xf32, #tpu.memory_space<vmem>>
    tpu.enqueue_dma source(%dma_start3A_720 : memref<128x128xf32, #tpu.memory_space<vmem>>) target(%dma_start3A_716 : memref<128x128xf32, #tpu.memory_space<hbm>>) target_semaphore(%dma_start3A_714 : memref<!tpu.dma_semaphore, #tpu.memory_space<semaphore_mem>>)
    %dma_wait3A_721 = arith.constant 1 : i32
    %dma_wait3A_722 = arith.constant 1 : i32
    %dma_wait3A_723 = arith.constant 0 : i32
    %dma_wait3A_724 = arith.constant 0 : i32
    %dma_wait3A_725 = tpu.memref_slice %arg6[%dma_wait3A_721, %dma_wait3A_723, %dma_wait3A_724] : memref<4x128x128xf32, #tpu.memory_space<vmem>> -> memref<1x128x128xf32, #tpu.memory_space<vmem>>
    %dma_wait3A_726 = tpu.memref_squeeze %dma_wait3A_725 : memref<1x128x128xf32, #tpu.memory_space<vmem>> -> memref<128x128xf32, #tpu.memory_space<vmem>>
    %dma_wait3A_727 = arith.constant 0 : i32
    %dma_wait3A_728 = tpu.memref_slice %arg4[%add3A_591, %dma_wait3A_727] : memref<49152x128xf32, #tpu.memory_space<hbm>> -> memref<128x128xf32, #tpu.memory_space<hbm>>
    %dma_wait3A_729 = tpu.memref_slice %arg8[%dma_wait3A_722] : memref<4x!tpu.dma_semaphore, #tpu.memory_space<semaphore_mem>> -> memref<1x!tpu.dma_semaphore, #tpu.memory_space<semaphore_mem>>
    %dma_wait3A_730 = tpu.memref_squeeze %dma_wait3A_729 : memref<1x!tpu.dma_semaphore, #tpu.memory_space<semaphore_mem>> -> memref<!tpu.dma_semaphore, #tpu.memory_space<semaphore_mem>>
    %dma_wait3A_731 = arith.constant 0 : i32
    %dma_wait3A_732 = tpu.memref_slice %arg4[%add3A_591, %dma_wait3A_731] : memref<49152x128xf32, #tpu.memory_space<hbm>> -> memref<128x128xf32, #tpu.memory_space<hbm>>
    %dma_wait3A_733 = arith.constant 0 : i32
    %dma_wait3A_734 = arith.constant 0 : i32
    %dma_wait3A_735 = tpu.memref_slice %arg6[%dma_wait3A_721, %dma_wait3A_733, %dma_wait3A_734] : memref<4x128x128xf32, #tpu.memory_space<vmem>> -> memref<1x128x128xf32, #tpu.memory_space<vmem>>
    %dma_wait3A_736 = tpu.memref_squeeze %dma_wait3A_735 : memref<1x128x128xf32, #tpu.memory_space<vmem>> -> memref<128x128xf32, #tpu.memory_space<vmem>>
    tpu.wait_dma2 semaphore(%dma_wait3A_730 : memref<!tpu.dma_semaphore, #tpu.memory_space<semaphore_mem>>) src(%dma_wait3A_736 : memref<128x128xf32, #tpu.memory_space<vmem>>) dst(%dma_wait3A_732 : memref<128x128xf32, #tpu.memory_space<hbm>>)
    %dma_wait3A_737 = arith.constant 2 : i32
    %dma_wait3A_738 = arith.constant 2 : i32
    %dma_wait3A_739 = arith.constant 0 : i32
    %dma_wait3A_740 = arith.constant 0 : i32
    %dma_wait3A_741 = tpu.memref_slice %arg6[%dma_wait3A_737, %dma_wait3A_739, %dma_wait3A_740] : memref<4x128x128xf32, #tpu.memory_space<vmem>> -> memref<1x128x128xf32, #tpu.memory_space<vmem>>
    %dma_wait3A_742 = tpu.memref_squeeze %dma_wait3A_741 : memref<1x128x128xf32, #tpu.memory_space<vmem>> -> memref<128x128xf32, #tpu.memory_space<vmem>>
    %dma_wait3A_743 = arith.constant 0 : i32
    %dma_wait3A_744 = tpu.memref_slice %arg4[%add3A_655, %dma_wait3A_743] : memref<49152x128xf32, #tpu.memory_space<hbm>> -> memref<128x128xf32, #tpu.memory_space<hbm>>
    %dma_wait3A_745 = tpu.memref_slice %arg8[%dma_wait3A_738] : memref<4x!tpu.dma_semaphore, #tpu.memory_space<semaphore_mem>> -> memref<1x!tpu.dma_semaphore, #tpu.memory_space<semaphore_mem>>
    %dma_wait3A_746 = tpu.memref_squeeze %dma_wait3A_745 : memref<1x!tpu.dma_semaphore, #tpu.memory_space<semaphore_mem>> -> memref<!tpu.dma_semaphore, #tpu.memory_space<semaphore_mem>>
    %dma_wait3A_747 = arith.constant 0 : i32
    %dma_wait3A_748 = tpu.memref_slice %arg4[%add3A_655, %dma_wait3A_747] : memref<49152x128xf32, #tpu.memory_space<hbm>> -> memref<128x128xf32, #tpu.memory_space<hbm>>
    %dma_wait3A_749 = arith.constant 0 : i32
    %dma_wait3A_750 = arith.constant 0 : i32
    %dma_wait3A_751 = tpu.memref_slice %arg6[%dma_wait3A_737, %dma_wait3A_749, %dma_wait3A_750] : memref<4x128x128xf32, #tpu.memory_space<vmem>> -> memref<1x128x128xf32, #tpu.memory_space<vmem>>
    %dma_wait3A_752 = tpu.memref_squeeze %dma_wait3A_751 : memref<1x128x128xf32, #tpu.memory_space<vmem>> -> memref<128x128xf32, #tpu.memory_space<vmem>>
    tpu.wait_dma2 semaphore(%dma_wait3A_746 : memref<!tpu.dma_semaphore, #tpu.memory_space<semaphore_mem>>) src(%dma_wait3A_752 : memref<128x128xf32, #tpu.memory_space<vmem>>) dst(%dma_wait3A_748 : memref<128x128xf32, #tpu.memory_space<hbm>>)
    %dma_wait3A_753 = arith.constant 3 : i32
    %dma_wait3A_754 = arith.constant 3 : i32
    %dma_wait3A_755 = arith.constant 0 : i32
    %dma_wait3A_756 = arith.constant 0 : i32
    %dma_wait3A_757 = tpu.memref_slice %arg6[%dma_wait3A_753, %dma_wait3A_755, %dma_wait3A_756] : memref<4x128x128xf32, #tpu.memory_space<vmem>> -> memref<1x128x128xf32, #tpu.memory_space<vmem>>
    %dma_wait3A_758 = tpu.memref_squeeze %dma_wait3A_757 : memref<1x128x128xf32, #tpu.memory_space<vmem>> -> memref<128x128xf32, #tpu.memory_space<vmem>>
    %dma_wait3A_759 = arith.constant 0 : i32
    %dma_wait3A_760 = tpu.memref_slice %arg4[%add3A_704, %dma_wait3A_759] : memref<49152x128xf32, #tpu.memory_space<hbm>> -> memref<128x128xf32, #tpu.memory_space<hbm>>
    %dma_wait3A_761 = tpu.memref_slice %arg8[%dma_wait3A_754] : memref<4x!tpu.dma_semaphore, #tpu.memory_space<semaphore_mem>> -> memref<1x!tpu.dma_semaphore, #tpu.memory_space<semaphore_mem>>
    %dma_wait3A_762 = tpu.memref_squeeze %dma_wait3A_761 : memref<1x!tpu.dma_semaphore, #tpu.memory_space<semaphore_mem>> -> memref<!tpu.dma_semaphore, #tpu.memory_space<semaphore_mem>>
    %dma_wait3A_763 = arith.constant 0 : i32
    %dma_wait3A_764 = tpu.memref_slice %arg4[%add3A_704, %dma_wait3A_763] : memref<49152x128xf32, #tpu.memory_space<hbm>> -> memref<128x128xf32, #tpu.memory_space<hbm>>
    %dma_wait3A_765 = arith.constant 0 : i32
    %dma_wait3A_766 = arith.constant 0 : i32
    %dma_wait3A_767 = tpu.memref_slice %arg6[%dma_wait3A_753, %dma_wait3A_765, %dma_wait3A_766] : memref<4x128x128xf32, #tpu.memory_space<vmem>> -> memref<1x128x128xf32, #tpu.memory_space<vmem>>
    %dma_wait3A_768 = tpu.memref_squeeze %dma_wait3A_767 : memref<1x128x128xf32, #tpu.memory_space<vmem>> -> memref<128x128xf32, #tpu.memory_space<vmem>>
    tpu.wait_dma2 semaphore(%dma_wait3A_762 : memref<!tpu.dma_semaphore, #tpu.memory_space<semaphore_mem>>) src(%dma_wait3A_768 : memref<128x128xf32, #tpu.memory_space<vmem>>) dst(%dma_wait3A_764 : memref<128x128xf32, #tpu.memory_space<hbm>>)
    return
  }
}

module attributes {stable_mosaic.version = 14 : i64} {
  func.func @_tr_body(%arg0: i32, %arg1: memref<64x2048xf32, #tpu.memory_space<vmem>>, %arg2: memref<64x2048xf32, #tpu.memory_space<vmem>>, %arg3: memref<64x64xf32, #tpu.memory_space<vmem>>, %arg4: memref<2048x128xf32, #tpu.memory_space<vmem>>) attributes {dimension_semantics = [#tpu.dimension_semantics<arbitrary>], iteration_bounds = array<i64: 245>, scalar_prefetch = 0 : i64, scratch_operands = 0 : i64, tpu.core_type = #tpu.core_type<tc>, window_params = [{transform_indices = @transform_0, window_bounds = array<i64: 64, 2048>}, {transform_indices = @transform_1, window_bounds = array<i64: 64, 2048>}, {pipeline_mode = #tpu.pipeline_mode<synchronous>, transform_indices = @transform_2, window_bounds = array<i64: 64, 64>}, {transform_indices = @transform_3, window_bounds = array<i64: 2048, 128>}]} {
    %get3A = arith.constant 0 : index
    %get3A_0 = arith.constant 0 : index
    %get3A_1 = vector.load %arg3[%get3A, %get3A_0] : memref<64x64xf32, #tpu.memory_space<vmem>>, vector<64x64xf32>
    %get3A_2 = arith.constant 0 : index
    %get3A_3 = arith.constant 0 : index
    %get3A_4 = vector.load %arg1[%get3A_2, %get3A_3] : memref<64x2048xf32, #tpu.memory_space<vmem>>, vector<64x2048xf32>
    %dot_general3A = arith.constant dense<0.000000e+00> : vector<2048x64xf32>
    %dot_general3A_5 = tpu.matmul %get3A_4, %get3A_1, %dot_general3A {dimension_numbers = #tpu.dot_dimension_numbers<[0], [0], [1], [1], [0, 1, 1, 1], [], []>, transpose_lhs_hint = false} : vector<64x2048xf32>, vector<64x64xf32>, vector<2048x64xf32> -> vector<2048x64xf32>
    %get3A_6 = arith.constant 0 : index
    %get3A_7 = arith.constant 0 : index
    %get3A_8 = vector.load %arg2[%get3A_6, %get3A_7] : memref<64x2048xf32, #tpu.memory_space<vmem>>, vector<64x2048xf32>
    %dot_general3A_9 = arith.constant dense<0.000000e+00> : vector<2048x64xf32>
    %dot_general3A_10 = tpu.matmul %get3A_8, %get3A_1, %dot_general3A_9 {dimension_numbers = #tpu.dot_dimension_numbers<[0], [0], [1], [1], [0, 1, 1, 1], [], []>, transpose_lhs_hint = false} : vector<64x2048xf32>, vector<64x64xf32>, vector<2048x64xf32> -> vector<2048x64xf32>
    %concatenate3A = tpu.concatenate %dot_general3A_5, %dot_general3A_10 in 1 : vector<2048x64xf32>, vector<2048x64xf32> -> vector<2048x128xf32>
    %swap3A = arith.constant 0 : index
    %swap3A_11 = arith.constant 0 : index
    %swap3A_12 = vector.load %arg4[%swap3A, %swap3A_11] : memref<2048x128xf32, #tpu.memory_space<vmem>>, vector<2048x128xf32>
    tpu.vector_store %arg4[%swap3A, %swap3A_11], %concatenate3A {strides = array<i32>} : memref<2048x128xf32, #tpu.memory_space<vmem>>, vector<2048x128xf32>,
    return
  }
  func.func @transform_0(%arg0: i32) -> (i32, i32) {
    %c0_i32 = arith.constant 0 : i32
    %c0_i32_0 = arith.constant 0 : i32
    return %c0_i32, %arg0 : i32, i32
  }
  func.func @transform_1(%arg0: i32) -> (i32, i32) {
    %add3A = arith.constant 245 : i32
    %add3A_0 = arith.addi %add3A, %arg0 : i32
    %min3A = arith.constant 487 : i32
    %min3A_1 = arith.minsi %add3A_0, %min3A : i32
    %c0_i32 = arith.constant 0 : i32
    %c0_i32_2 = arith.constant 0 : i32
    return %c0_i32, %min3A_1 : i32, i32
  }
  func.func @transform_2(%arg0: i32) -> (i32, i32) {
    %c0_i32 = arith.constant 0 : i32
    %c0_i32_0 = arith.constant 0 : i32
    %c0_i32_1 = arith.constant 0 : i32
    return %c0_i32, %c0_i32_0 : i32, i32
  }
  func.func @transform_3(%arg0: i32) -> (i32, i32) {
    %c0_i32 = arith.constant 0 : i32
    %c0_i32_0 = arith.constant 0 : i32
    return %arg0, %c0_i32 : i32, i32
  }
}

module attributes {stable_mosaic.version = 14 : i64} {
  func.func @_mlp_body(%arg0: i32, %arg1: memref<2048x128xf32, #tpu.memory_space<vmem>>, %arg2: memref<2048x1xi32, #tpu.memory_space<vmem>>, %arg3: memref<576x64xf32, #tpu.memory_space<vmem>>, %arg4: memref<64x128xf32, #tpu.memory_space<vmem>>, %arg5: memref<1x128xf32, #tpu.memory_space<vmem>>, %arg6: memref<1x128xf32, #tpu.memory_space<vmem>>, %arg7: memref<1x128xf32, #tpu.memory_space<vmem>>, %arg8: memref<128x128xf32, #tpu.memory_space<vmem>>, %arg9: memref<1x128xf32, #tpu.memory_space<vmem>>, %arg10: memref<2048x128xf32, #tpu.memory_space<vmem>>) attributes {dimension_semantics = [#tpu.dimension_semantics<arbitrary>], iteration_bounds = array<i64: 24>, scalar_prefetch = 0 : i64, scratch_operands = 0 : i64, tpu.core_type = #tpu.core_type<tc>, window_params = [{transform_indices = @transform_0, window_bounds = array<i64: 2048, 128>}, {transform_indices = @transform_1, window_bounds = array<i64: 2048, 1>}, {pipeline_mode = #tpu.pipeline_mode<synchronous>, transform_indices = @transform_2, window_bounds = array<i64: 576, 64>}, {pipeline_mode = #tpu.pipeline_mode<synchronous>, transform_indices = @transform_3, window_bounds = array<i64: 64, 128>}, {pipeline_mode = #tpu.pipeline_mode<synchronous>, transform_indices = @transform_4, window_bounds = array<i64: 1, 128>}, {pipeline_mode = #tpu.pipeline_mode<synchronous>, transform_indices = @transform_5, window_bounds = array<i64: 1, 128>}, {pipeline_mode = #tpu.pipeline_mode<synchronous>, transform_indices = @transform_6, window_bounds = array<i64: 1, 128>}, {pipeline_mode = #tpu.pipeline_mode<synchronous>, transform_indices = @transform_7, window_bounds = array<i64: 128, 128>}, {pipeline_mode = #tpu.pipeline_mode<synchronous>, transform_indices = @transform_8, window_bounds = array<i64: 1, 128>}, {transform_indices = @transform_9, window_bounds = array<i64: 2048, 128>}]} {
    %get3A = arith.constant 0 : index
    %get3A_0 = arith.constant 0 : index
    %get3A_1 = vector.load %arg1[%get3A, %get3A_0] : memref<2048x128xf32, #tpu.memory_space<vmem>>, vector<2048x128xf32>
    %get3A_2 = arith.constant 0 : index
    %get3A_3 = arith.constant 0 : index
    %get3A_4 = vector.load %arg2[%get3A_2, %get3A_3] : memref<2048x1xi32, #tpu.memory_space<vmem>>, vector<2048x1xi32>
    %ge3A = arith.constant 501760 : i32
    %ge3A_5 = vector.broadcast %ge3A : i32 to vector<2048x1xi32>
    %ge3A_6 = arith.cmpi sge, %get3A_4, %ge3A_5 : vector<2048x1xi32>
    %slice3A = vector.extract_strided_slice %get3A_1 {offsets = [0, 64], sizes = [2048, 64], strides = [1, 1]} : vector<2048x128xf32> to vector<2048x64xf32>
    %slice3A_7 = vector.extract_strided_slice %get3A_1 {offsets = [0, 0], sizes = [2048, 64], strides = [1, 1]} : vector<2048x128xf32> to vector<2048x64xf32>
    %broadcast_in_dim3A = vector.shape_cast %ge3A_6 : vector<2048x1xi1> to vector<2048x1xi1>
    %broadcast_in_dim3A_8 = vector.broadcast %broadcast_in_dim3A : vector<2048x1xi1> to vector<2048x64xi1>
    %select_n3A = arith.select %broadcast_in_dim3A_8, %slice3A, %slice3A_7 : vector<2048x64xi1>, vector<2048x64xf32>
    %sub3A = arith.constant 999424 : i32
    %sub3A_9 = vector.broadcast %sub3A : i32 to vector<2048x1xi32>
    %sub3A_10 = arith.subi %get3A_4, %sub3A_9 : vector<2048x1xi32>
    %iota3A = tpu.iota {dimensions = array<i32: 1>} : vector<2048x576xi32>
    %eq3A = vector.broadcast %sub3A_10 : vector<2048x1xi32> to vector<2048x576xi32>
    %eq3A_11 = arith.cmpi eq, %eq3A, %iota3A : vector<2048x576xi32>
    %convert_element_type3A = arith.extui %eq3A_11 : vector<2048x576xi1> to vector<2048x576xi32>
    %convert_element_type3A_12 = arith.sitofp %convert_element_type3A : vector<2048x576xi32> to vector<2048x576xf32>
    %get3A_13 = arith.constant 0 : index
    %get3A_14 = arith.constant 0 : index
    %get3A_15 = vector.load %arg3[%get3A_13, %get3A_14] : memref<576x64xf32, #tpu.memory_space<vmem>>, vector<576x64xf32>
    %dot_general3A = arith.constant dense<0.000000e+00> : vector<2048x64xf32>
    %dot_general3A_16 = tpu.matmul %convert_element_type3A_12, %get3A_15, %dot_general3A {dimension_numbers = #tpu.dot_dimension_numbers<[1], [0], [0], [1], [0, 0, 1, 1], [], []>, transpose_lhs_hint = false} : vector<2048x576xf32>, vector<576x64xf32>, vector<2048x64xf32> -> vector<2048x64xf32>
    %ge3A_17 = arith.constant 0 : i32
    %ge3A_18 = vector.broadcast %ge3A_17 : i32 to vector<2048x1xi32>
    %ge3A_19 = arith.cmpi sge, %sub3A_10, %ge3A_18 : vector<2048x1xi32>
    %broadcast_in_dim3A_20 = vector.shape_cast %ge3A_19 : vector<2048x1xi1> to vector<2048x1xi1>
    %broadcast_in_dim3A_21 = vector.broadcast %broadcast_in_dim3A_20 : vector<2048x1xi1> to vector<2048x64xi1>
    %select_n3A_22 = arith.select %broadcast_in_dim3A_21, %dot_general3A_16, %select_n3A : vector<2048x64xi1>, vector<2048x64xf32>
    %get3A_23 = arith.constant 0 : index
    %get3A_24 = arith.constant 0 : index
    %get3A_25 = vector.load %arg4[%get3A_23, %get3A_24] : memref<64x128xf32, #tpu.memory_space<vmem>>, vector<64x128xf32>
    %dot_general3A_26 = arith.constant dense<0.000000e+00> : vector<2048x128xf32>
    %dot_general3A_27 = tpu.matmul %select_n3A_22, %get3A_25, %dot_general3A_26 {dimension_numbers = #tpu.dot_dimension_numbers<[1], [0], [0], [1], [0, 0, 1, 1], [], []>, transpose_lhs_hint = false} : vector<2048x64xf32>, vector<64x128xf32>, vector<2048x128xf32> -> vector<2048x128xf32>
    %get3A_28 = arith.constant 0 : index
    %get3A_29 = arith.constant 0 : index
    %get3A_30 = vector.load %arg5[%get3A_28, %get3A_29] : memref<1x128xf32, #tpu.memory_space<vmem>>, vector<1x128xf32>
    %add3A = vector.broadcast %get3A_30 : vector<1x128xf32> to vector<2048x128xf32>
    %add3A_31 = arith.addf %dot_general3A_27, %add3A : vector<2048x128xf32>
    %max3A = arith.constant 0.000000e+00 : f32
    %max3A_32 = vector.broadcast %max3A : f32 to vector<2048x128xf32>
    %max3A_33 = arith.maximumf %add3A_31, %max3A_32 : vector<2048x128xf32>
    %get3A_34 = arith.constant 0 : index
    %get3A_35 = arith.constant 0 : index
    %get3A_36 = vector.load %arg6[%get3A_34, %get3A_35] : memref<1x128xf32, #tpu.memory_space<vmem>>, vector<1x128xf32>
    %mul3A = vector.broadcast %get3A_36 : vector<1x128xf32> to vector<2048x128xf32>
    %mul3A_37 = arith.mulf %max3A_33, %mul3A : vector<2048x128xf32>
    %get3A_38 = arith.constant 0 : index
    %get3A_39 = arith.constant 0 : index
    %get3A_40 = vector.load %arg7[%get3A_38, %get3A_39] : memref<1x128xf32, #tpu.memory_space<vmem>>, vector<1x128xf32>
    %add3A_41 = vector.broadcast %get3A_40 : vector<1x128xf32> to vector<2048x128xf32>
    %add3A_42 = arith.addf %mul3A_37, %add3A_41 : vector<2048x128xf32>
    %get3A_43 = arith.constant 0 : index
    %get3A_44 = arith.constant 0 : index
    %get3A_45 = vector.load %arg8[%get3A_43, %get3A_44] : memref<128x128xf32, #tpu.memory_space<vmem>>, vector<128x128xf32>
    %dot_general3A_46 = arith.constant dense<0.000000e+00> : vector<2048x128xf32>
    %dot_general3A_47 = tpu.matmul %add3A_42, %get3A_45, %dot_general3A_46 {dimension_numbers = #tpu.dot_dimension_numbers<[1], [0], [0], [1], [0, 0, 1, 1], [], []>, transpose_lhs_hint = false} : vector<2048x128xf32>, vector<128x128xf32>, vector<2048x128xf32> -> vector<2048x128xf32>
    %get3A_48 = arith.constant 0 : index
    %get3A_49 = arith.constant 0 : index
    %get3A_50 = vector.load %arg9[%get3A_48, %get3A_49] : memref<1x128xf32, #tpu.memory_space<vmem>>, vector<1x128xf32>
    %add3A_51 = vector.broadcast %get3A_50 : vector<1x128xf32> to vector<2048x128xf32>
    %add3A_52 = arith.addf %dot_general3A_47, %add3A_51 : vector<2048x128xf32>
    %swap3A = arith.constant 0 : index
    %swap3A_53 = arith.constant 0 : index
    %swap3A_54 = vector.load %arg10[%swap3A, %swap3A_53] : memref<2048x128xf32, #tpu.memory_space<vmem>>, vector<2048x128xf32>
    tpu.vector_store %arg10[%swap3A, %swap3A_53], %add3A_52 {strides = array<i32>} : memref<2048x128xf32, #tpu.memory_space<vmem>>, vector<2048x128xf32>,
    return
  }
  func.func @transform_0(%arg0: i32) -> (i32, i32) {
    %c0_i32 = arith.constant 0 : i32
    %c0_i32_0 = arith.constant 0 : i32
    return %arg0, %c0_i32 : i32, i32
  }
  func.func @transform_1(%arg0: i32) -> (i32, i32) {
    %c0_i32 = arith.constant 0 : i32
    %c0_i32_0 = arith.constant 0 : i32
    return %arg0, %c0_i32 : i32, i32
  }
  func.func @transform_2(%arg0: i32) -> (i32, i32) {
    %c0_i32 = arith.constant 0 : i32
    %c0_i32_0 = arith.constant 0 : i32
    %c0_i32_1 = arith.constant 0 : i32
    return %c0_i32, %c0_i32_0 : i32, i32
  }
  func.func @transform_3(%arg0: i32) -> (i32, i32) {
    %c0_i32 = arith.constant 0 : i32
    %c0_i32_0 = arith.constant 0 : i32
    %c0_i32_1 = arith.constant 0 : i32
    return %c0_i32, %c0_i32_0 : i32, i32
  }
  func.func @transform_4(%arg0: i32) -> (i32, i32) {
    %c0_i32 = arith.constant 0 : i32
    %c0_i32_0 = arith.constant 0 : i32
    %c0_i32_1 = arith.constant 0 : i32
    return %c0_i32, %c0_i32_0 : i32, i32
  }
  func.func @transform_5(%arg0: i32) -> (i32, i32) {
    %c0_i32 = arith.constant 0 : i32
    %c0_i32_0 = arith.constant 0 : i32
    %c0_i32_1 = arith.constant 0 : i32
    return %c0_i32, %c0_i32_0 : i32, i32
  }
  func.func @transform_6(%arg0: i32) -> (i32, i32) {
    %c0_i32 = arith.constant 0 : i32
    %c0_i32_0 = arith.constant 0 : i32
    %c0_i32_1 = arith.constant 0 : i32
    return %c0_i32, %c0_i32_0 : i32, i32
  }
  func.func @transform_7(%arg0: i32) -> (i32, i32) {
    %c0_i32 = arith.constant 0 : i32
    %c0_i32_0 = arith.constant 0 : i32
    %c0_i32_1 = arith.constant 0 : i32
    return %c0_i32, %c0_i32_0 : i32, i32
  }
  func.func @transform_8(%arg0: i32) -> (i32, i32) {
    %c0_i32 = arith.constant 0 : i32
    %c0_i32_0 = arith.constant 0 : i32
    %c0_i32_1 = arith.constant 0 : i32
    return %c0_i32, %c0_i32_0 : i32, i32
  }
  func.func @transform_9(%arg0: i32) -> (i32, i32) {
    %c0_i32 = arith.constant 0 : i32
    %c0_i32_0 = arith.constant 0 : i32
    return %arg0, %c0_i32 : i32, i32
  }
}

</mosaic_0001>

<sc_bundles>
// kernel: kernel.5.cloned.1.call-start
scs
__scs_entry_jumppad:
0x0: {  	(pc) =	sbr.rel $0x88, $3  }
0x1: {  	(tag) =	ssettag $0x0;
	lr =	simm.s32 $0x1  }
0x2: {  	[smem:$0x3F95] =	sst lr;
	_ =	strace $0xD0000000  }
0x3: {  	_ = 	snop  }
0x4: {  	_ = 	snop  }
0x5: {  	_ = 	snop  }
0x6: {  	_ = 	snop  }
0x7: {  	_ = 	snop  }
__scs_overlays_trampoline_lowered:
0x8: {  	[smem:$0x3FA4] =	sst s0  }
0x9: {  	[smem:$0x3FA5] =	sst s1  }
0xa: {  	[smem:$0x3FA6] =	sst s2  }
0xb: {  	[smem:$0x3FA7] =	sst s3  }
0xc: {  	[smem:$0x3FA8] =	sst s4  }
0xd: {  	[smem:$0x3FA9] =	sst s5  }
0xe: {  	[smem:$0x3FAA] =	sst s6  }
0xf: {  	[smem:$0x3FAB] =	sst s7  }
0x10: {  	[smem:$0x3FAC] =	sst s8  }
0x11: {  	[smem:$0x3FAD] =	sst s9;
	s0 =	simm.s32 @!p0 $0x0  }
0x12: {  	s1 =	sld [smem:$0x3F93];
	s0 =	simm.s32 @p0 $0x1  }
0x13: {  	[smem:$0x3FAE] =	sst s0;
	s0 =	simm.s32 @!p1 $0x0  }
0x14: {  	s2 =	sld [smem:$0x3F92];
	s0 =	simm.s32 @p1 $0x1  }
0x15: {  	[smem:$0x3FAF] =	sst s0;
	s0 =	simm.s32 @!p2 $0x0  }
0x16: {  	s3 =	sld [smem:$0x3FDB];
	s0 =	simm.s32 @p2 $0x1  }
0x17: {  	s4 =	simm.s32 $0x1BF5;
	[smem:$0x3FB1] =	sst s0  }
0x18: {  	s0 =	sld [smem:$0x3F94];
	_ =	swait.ge [sflag:s4], $0x0  }
0x19: {  	s7 =	sld [smem:$0x3F95]  }
0x1a: {  	s8 =	sadd.s32 $0xFFFFE003, lr  }
0x1b: {  	s9 =	sadd.s32 $0xFFFFFEF7, lr;
	s5 =	simm.s32 $0xFFFFFFFF;
	p2 =	slt.u32 s8, $0xFFFFF086  }
0x1c: {  	p1 =	slt.u32 s9, $0xF7A;
	s5 =	simm.s32 @!p2 $0x0  }
0x1d: {  	s5 =	simm.s32 @p1 $0x1;
	p0 =	seq.s32 s7, s2  }
0x1e: {  	s7 =	smul.u32 @!p0 $0xF7A, s2;
	p2 =	seq.s32 @!p0 s5, $0x0  }
0x1f: {  	s9 =	smul.u32 $0xF7A, s1;
	s8 =	simm.s32 @!p0 $0x1BF5;
	p2 =	por !p2, p0  }
0x20: {  	[sflag:s8] =	ssyncset.s32 @!p0 $0xFFFFF086;
	s6 =	sadd.s32 @!p0 s3, s7;
	s7 =	simm.s32 @!p0 $0x108  }
0x21: {  	s3 =	sadd.s32 s3, s9;
	s6 =	sadd.s32 @!p0 $0x88, s6;
	s7 =	simm.s32 @p2 $0x1082  }
0x22: {  	[simem:s7], [sflag:s8] =	dma.local @!p0 [hbm:s6], $0xF7A  }
0x23: {  	s9 =	sor.u32 $0xD0000000, s2;
	s6 =	simm.s32 $0x108;
	_ =	swait.ge @!p0 [sflag:s8], $0x0  }
0x24: {  	s3 =	sadd.s32 $0x88, s3;
	s6 =	simm.s32 @!p1 $0x1082;
	[sflag:s4] =	ssyncset.s32 $0xFFFFF086  }
0x25: {  	[simem:s6], [sflag:s4] =	dma.local [hbm:s3], $0xF7A  }
0x26: {  	[smem:$0x3F95] =	sst s1;
	(tag) =	ssettag s2;
	_ =	strace s9  }
0x27: {  	s1 =	sld [smem:$0x3FA5]  }
0x28: {  	s2 =	sld [smem:$0x3FA6]  }
0x29: {  	s4 =	sld [smem:$0x3FA8]  }
0x2a: {  	p0 =	seq.s32 s5, $0x0;
	s5 =	sld [smem:$0x3FA9]  }
0x2b: {  	s6 =	sld [smem:$0x3FAA]  }
0x2c: {  	s7 =	sld [smem:$0x3FAB]  }
0x2d: {  	s3 =	simm.s32 $0x108;
	s8 =	sld [smem:$0x3FAC]  }
0x2e: {  	s3 =	simm.s32 @!p0 $0x1082;
	s9 =	sld [smem:$0x3FAD]  }
0x2f: {  	lr =	sadd.s32 s0, s3;
	s0 =	sld [smem:$0x3FA4]  }
0x30: {  	s3 =	sld [smem:$0x3FA7]  }
0x31: {  	[smem:$0x3FB0] =	sst s10  }
0x32: {  	s10 =	sld [smem:$0x3FAE];
	_ =	sdelay $0x3  }
0x33: {  	p0 =	seq.s32 s10, $0x1;
	s10 =	sld [smem:$0x3FB0];
	_ =	sdelay $0x3  }
0x34: {  	[smem:$0x3FB0] =	sst s10  }
0x35: {  	s10 =	sld [smem:$0x3FAF];
	_ =	sdelay $0x3  }
0x36: {  	p1 =	seq.s32 s10, $0x1;
	s10 =	sld [smem:$0x3FB0];
	_ =	sdelay $0x3  }
0x37: {  	[smem:$0x3FB0] =	sst s10  }
0x38: {  	s10 =	sld [smem:$0x3FB1]  }
0x39: {  	_ = 	snop;
	(pc) =	sbr.ind lr, $3  }
0x3a: {  	_ = 	snop  }
0x3b: {  	_ = 	snop  }
0x3c: {  	p2 =	seq.s32 s10, $0x1;
	s10 =	sld [smem:$0x3FB0]  }
0x3d: {  	_ =	shalt  }
0x3e: {  	_ =	shalt  }
0x3f: {  	_ =	shalt  }
0x40: {  	_ =	shalt  }
0x41: {  	_ =	shalt  }
0x42: {  	_ =	shalt  }
0x43: {  	_ =	shalt  }
0x44: {  	_ =	shalt  }
0x45: {  	_ =	shalt  }
0x46: {  	_ =	shalt  }
0x47: {  	_ =	shalt  }
0x48: {  	_ =	shalt  }
0x49: {  	_ =	shalt  }
0x4a: {  	_ =	shalt  }
0x4b: {  	_ =	shalt  }
0x4c: {  	_ =	shalt  }
0x4d: {  	_ =	shalt  }
0x4e: {  	_ =	shalt  }
0x4f: {  	_ =	shalt  }
0x50: {  	_ =	shalt  }
0x51: {  	_ =	shalt  }
0x52: {  	_ =	shalt  }
0x53: {  	_ =	shalt  }
0x54: {  	_ =	shalt  }
0x55: {  	_ =	shalt  }
0x56: {  	_ =	shalt  }
0x57: {  	_ =	shalt  }
0x58: {  	_ =	shalt  }
0x59: {  	_ =	shalt  }
0x5a: {  	_ =	shalt  }
0x5b: {  	_ =	shalt  }
0x5c: {  	_ =	shalt  }
0x5d: {  	_ =	shalt  }
0x5e: {  	_ =	shalt  }
0x5f: {  	_ =	shalt  }
0x60: {  	_ =	shalt  }
0x61: {  	_ =	shalt  }
0x62: {  	_ =	shalt  }
0x63: {  	_ =	shalt  }
0x64: {  	_ =	shalt  }
0x65: {  	_ =	shalt  }
0x66: {  	_ =	shalt  }
0x67: {  	_ =	shalt  }
0x68: {  	_ =	shalt  }
0x69: {  	_ =	shalt  }
0x6a: {  	_ =	shalt  }
0x6b: {  	_ =	shalt  }
0x6c: {  	_ =	shalt  }
0x6d: {  	_ =	shalt  }
0x6e: {  	_ =	shalt  }
0x6f: {  	_ =	shalt  }
0x70: {  	_ =	shalt  }
0x71: {  	_ =	shalt  }
0x72: {  	_ =	shalt  }
0x73: {  	_ =	shalt  }
0x74: {  	_ =	shalt  }
0x75: {  	_ =	shalt  }
0x76: {  	_ =	shalt  }
0x77: {  	_ =	shalt  }
0x78: {  	_ =	shalt  }
0x79: {  	_ =	shalt  }
0x7a: {  	_ =	shalt  }
0x7b: {  	_ =	shalt  }
0x7c: {  	_ =	shalt  }
0x7d: {  	_ =	shalt  }
0x7e: {  	_ =	shalt  }
0x7f: {  	_ =	shalt  }
0x80: {  	_ =	shalt  }
0x81: {  	_ =	shalt  }
0x82: {  	_ =	shalt  }
0x83: {  	_ =	shalt  }
0x84: {  	_ =	shalt  }
0x85: {  	_ =	shalt  }
0x86: {  	_ =	shalt  }
0x87: {  	_ =	shalt  }
.Lfunc_end0:
.L_simem_size_0:
called_computation_lowered:
.L_overlay_start_0:
0x88: {  	s2 =	sld [smem:$0x3FD9]  }
0x89: {  	s3 =	sld [smem:$0x3FFE];
	_ =	sdelay $0x1  }
0x8a: {  	s1 =	srdreg.scid  }
0x8b: {  	s0 =	sand.u32 $0x1, s1  }
0x8c: {  	s14 =	sshll.u32 s0, $0xA;
	s2 =	sadd.s32 s3, s2  }
0x8d: {  	s2 =	sadd.s32 s2, s14  }
0x8e: {  	[smem:$0x3FBC] =	sst s2  }
0x8f: {  	_ = 	snop  }
0x90: {  	s2 =	sld [smem:$0x3FD0];
	_ =	sdelay $0x2  }
0x91: {  	s15 =	simm.s32 $0xA;
	s4 =	simm.s32 $0x10  }
0x92: {  	[smem:s4], [sflag:s15] =	dma.local [hbm:s2], $0x1  }
0x93: {  	_ =	swait.eq [sflag:s15], $0x1  }
0x94: {  	[sflag:s15] =	ssyncset.done $0x0  }
0x95: {  	[sflag:s15] =	ssyncadd.s32 $0xFFFFFFFF  }
0x96: {  	s16 =	sld [smem:$0x10];
	(tm) =	ssettm $0x1  }
0x97: {  	s17 =	sld [smem:$0x3FFB];
	_ =	sdelay $0x3  }
0x98: {  	_ =	strace s17  }
0x99: {  	s3 =	sld [smem:$0x3FFC];
	_ =	sdelay $0x3  }
0x9a: {  	_ =	strace s3  }
0x9b: {  	s3 =	sld [smem:$0x3FFD];
	_ =	sdelay $0x3  }
0x9c: {  	_ =	strace s3  }
0x9d: {  	_ =	strace $0x8FFFFFFF  }
0x9e: {  	s18 =	sld [smem:$0x3FDB];
	_ =	sdelay $0x1  }
0x9f: {  	s19 =	simm.s32 $_scs_section_size  }
0xa0: {  	s5 =	simm.s32 $_size__tile_overlayer_lowered;
	s6 =	simm.s32 $_tile_overlayer_lowered  }
0xa1: {  	s22 =	simm.s32 $0x1BFF;
	s21 =	sshll.u32 s6, $0x1;
	s3 =	sadd.s32 s19, s18  }
0xa2: {  	s7 =	simm.s32 $0x0;
	s20 =	sshll.u32 s5, $0x1;
	s5 =	sadd.s32 s21, s3  }
0xa3: {  	[timem:s7], [sflag:s22] =	dma.local [hbm:s5], s20  }
0xa4: {  	_ =	swait.ge [sflag:s22], s20  }
0xa5: {  	s4 =	ssub.s32 $0x0, s20;
	[sflag:s22] =	ssyncset.done $0x0  }
0xa6: {  	[sflag:s22] =	ssyncadd.s32 s4;
	_ =	sdelay $0x1  }
0xa7: {  	s23 =	simm.s32 $0x1B8B  }
0xa8: {  	_ =	swait.ge [sflag:s23], $0x1  }
0xa9: {  	[sflag:s23] =	ssyncset.done $0x0  }
0xaa: {  	s25 =	simm.s32 $0x1B8E;
	s24 =	sld [smem:$0x3FFE];
	[sflag:s23] =	ssyncadd.s32 $0xFFFFFFFF  }
0xab: {  	s26 =	simm.s32 $execute0_lowered;
	[smem:$0x3FD2] =	sst s25  }
0xac: {  	s5 =	sshll.u32 s26, $0x1;
	_ =	strace $0x80000046;
	[dreg:$0x1] =	wrdreg $0xFFFFFFFF  }
0xad: {  	s28 =	simm.s32 $_size_execute0_lowered;
	s3 =	sadd.s32 s3, s5;
	[dreg:$0x0] =	wrdreg $0x0  }
0xae: {  	s5 =	sshll.u32 s28, $0x1;
	[dreg:$0x2] =	wrdreg s3  }
0xaf: {  	[dreg:$0x3] =	wrdreg s5  }
0xb0: {  	[dreg:$0x4] =	wrdreg $0xC0  }
0xb1: {  	_ =	task [dreg:s7], $0x5FFFF  }
0xb2: {  	[dreg:$0x1] =	wrdreg $0xFFFFFFFF  }
0xb3: {  	[dreg:$0x0] =	wrdreg $0x60  }
0xb4: {  	[dreg:$0x2] =	wrdreg s24  }
0xb5: {  	[dreg:$0x3] =	wrdreg s16  }
0xb6: {  	[dreg:$0x4] =	wrdreg $0x9  }
0xb7: {  	_ =	task.clear_ibuf [dreg:s7], $0x5FFFF;
	_ =	strace $0x90000046  }
0xb8: {  	s29 =	simm.s32 $0x9;
	_ =	strace $0x80000048  }
0xb9: {  	_ =	swait.ge [sflag:s29], $0x1  }
0xba: {  	[sflag:s29] =	ssyncadd.s32 $0xFFFFFFFF  }
0xbb: {  	_ =	strace $0x90000048  }
0xbc: {  	_ =	sfence  }
0xbd: {  	s30 =	sld [smem:$0x0];
	_ =	sdelay $0x2  }
0xbe: {  	s31 =	sshll.u32 s1, $0xD;
	s1 =	sshrl.u32 s1, $0x2  }
0xbf: {  	s3 =	sand.u32 $0x4000, s31;
	s1 =	sadd.s32 s1, s30  }
0xc0: {  	s0 =	sor.u32 s3, s0;
	s1 =	sshll.u32 s1, $0x11  }
0xc1: {  	s0 =	sor.u32 s1, s0  }
0xc2: {  	s0 =	sadd.s32 $0x8F2B, s0  }
0xc3: {  	[sflag:s0] =	ssyncadd.remote.s32 $0x1  }
0xc4: {  	_ =	sfence.sel $0xFFFF  }
0xc5: {  	[dreg:$0x0] =	wrdreg $0xFFFFFFFF;
	(pc) =	sbr.abs _section_cstart, $3  }
0xc6: {  	[dreg:$0x1] =	wrdreg $0xFFFFFFFF  }
0xc7: {  	_ =	task.clear_ibuf [dreg:s7], $0x2FFFF;
	_ =	strace $0x9FFFFFFF  }
0xc8: {  	(tm) =	ssettm $0x7FFFFFFF  }
0xc9: {  	_ =	shalt  }
tec
execute0_lowered:
.L_overlay_start_1:
0x0: {  	(tag) =	ssettag $0x1  }
0x1: {  	s0 =	rddreg [dreg:$0x0];
	s1 =	srdreg.scid  }
0x2: {  	s2 =	stileid.u32;
	s3 =	rddreg [dreg:$0x1]  }
0x3: {  	s31 =	simm.s32 $0x9;
	s9 =	simm.s32 $0x80;
	s30 =	simm.s32 $0x100  }
0x4: {  	s11 =	simm.s32 $0x8800;
	s29 =	simm.s32 $0x180;
	s28 =	simm.s32 $0x200  }
0x5: {  	s12 =	simm.s32 $0x4;
	s8 =	simm.s32 $0x6;
	s26 =	simm.s32 $0x280  }
0x6: {  	s25 =	simm.s32 $0x300;
	p0 =	por $0x0, $0x0;
	s10 =	simm.s32 $0x8  }
0x7: {  	s1 =	sand.u32 $0x1, s1;
	s4 =	sshll.u32 s2, $0x1;
	s2 =	simm.s32 $0x0  }
0x8: {  	s6 =	sadd.s32 $0x7A9C00, s0;
	s4 =	sor.u32 s1, s4;
	[smem:$0x7FF] =	sst s2  }
0x9: {  	s1 =	ssub.s32 $0x2, s1;
	s5 =	smul.u32 $0x6000, s4;
	_ =	strace $0x80000047  }
0xa: {  	s7 =	sshll.u32 s4, $0x8;
	s4 =	smul.u32 $0x30000, s4;
	s21 =	sshrl.u32 s1, $0x1  }
0xb: {  	s3 =	sadd.s32 s3, s7;
	s1 =	ssub.s32 s1, s21;
	s7 =	simm.s32 $0x7  }
0xc: {  	s21 =	simm.s32 $0x480;
	s22 =	sadd.s32 s6, s5;
	[dreg:$0x3] =	wrdreg s3  }
0xd: {  	s4 =	sshrl.u32 s4, $0x3;
	s3 =	sadd.s32 $0x1C00, s0;
	s24 =	smax.u32 s1, $0x1  }
0xe: {  	s13 =	sadd.s32 $0x800, s22;
	s14 =	sadd.s32 $0x1000, s22;
	s0 =	rddreg [dreg:$0x3]  }
0xf: {  	s15 =	sadd.s32 $0x1800, s22;
	s4 =	sadd.s32 s6, s4;
	[dreg:$0x4] =	wrdreg s13  }
0x10: {  	s6 =	simm.s32 $0xC800;
	p1 =	sne.s32 s24, $0x1;
	[dreg:$0x5] =	wrdreg s14  }
0x11: {  	s1 =	sadd.s32 $0xFFFFFFFF, s24;
	[dreg:$0x6] =	wrdreg s15;
	s16 =	sadd.s32 $0x2000, s4  }
0x12: {  	s24 =	simm.s32 $0x380;
	s17 =	sadd.s32 $0x2800, s4;
	[dreg:$0x7] =	wrdreg s16  }
0x13: {  	s18 =	sadd.s32 $0x3000, s4;
	s19 =	sadd.s32 $0x3800, s4;
	[dreg:$0x8] =	wrdreg s17  }
0x14: {  	s20 =	sadd.s32 $0x4000, s4;
	s23 =	sadd.s32 $0x4800, s4;
	[dreg:$0x9] =	wrdreg s18  }
.Ltmp0:
0x15: {  	s5 =	sadd.s32 $0x5000, s4;
	[dreg:$0xa] =	wrdreg s19;
	(pc) =	sbr.rel @!p1 .LBB2_3-.Ltmp0, $4  }
0x16: {  	s4 =	sadd.s32 $0x5800, s4;
	s14 =	simm.s32 $0x4800;
	[dreg:$0xb] =	wrdreg s20  }
0x17: {  	s15 =	simm.s32 $0x3;
	s13 =	simm.s32 $0x5;
	[dreg:$0xc] =	wrdreg s23  }
0x18: {  	s17 =	simm.s32 $0x800;
	s18 =	simm.s32 $0x1;
	s16 =	simm.s32 $0x2  }
0x19: {  	s23 =	simm.s32 $0x400;
	s20 =	simm.s32 $0x500;
	s19 =	simm.s32 $0x580  }
0x1a: {  	[tilespmem:s2], [sflag:$0x9] =	stream.linear.gather [hbm4b:s0+s2], $0x600, $0x38;
	[tilespmem:$0x10800] =	vst v63  }
0x1b: {  	_ =	swait.ge [sflag:s31], $0x600  }
0x1c: {  	[sflag:s31] =	ssyncset.done $0x0  }
0x1d: {  	[sflag:s31] =	ssyncadd.s32 $0xFFFFFA00  }
0x1e: {  	[tilespmem:s17], [sflag:$0x1] =	stream.indirect.gather [hbm4b:s3+s9], $0x80, s2, s9, $0xb8;
	[tilespmem:$0x10800] =	vst v63  }
0x1f: {  	_ = 	snop  }
0x20: {  	[tilespmem:s14], [sflag:$0x2] =	stream.indirect.gather [hbm4b:s3+s9], $0x80, s9, s9, $0xb8;
	[tilespmem:$0x10800] =	vst v63  }
0x21: {  	_ =	swait.ge [sflag:s18], $0x4000  }
0x22: {  	[sflag:s18] =	ssyncset.done $0x0  }
0x23: {  	[sflag:s18] =	ssyncadd.s32 $0xFFFFC000  }
0x24: {  	[hbm4b:s22+s2] =	stream.linear.scatter [tilespmem:s17], [sflag:$0x5], $0x4000, $0x38;
	[tilespmem:$0x10800] =	vst v63  }
0x25: {  	_ = 	snop  }
0x26: {  	[tilespmem:s11], [sflag:$0x3] =	stream.indirect.gather [hbm4b:s3+s9], $0x80, s30, s9, $0xb8;
	[tilespmem:$0x10800] =	vst v63  }
0x27: {  	_ =	swait.ge [sflag:s16], $0x4000  }
0x28: {  	[sflag:s16] =	ssyncset.done $0x0  }
0x29: {  	s0 =	rddreg [dreg:$0x4];
	[sflag:s16] =	ssyncadd.s32 $0xFFFFC000  }
0x2a: {  	[hbm4b:s0+s2] =	stream.linear.scatter [tilespmem:s14], [sflag:$0x6], $0x4000, $0x38;
	[tilespmem:$0x10800] =	vst v63  }
0x2b: {  	_ = 	snop  }
0x2c: {  	[tilespmem:s6], [sflag:$0x4] =	stream.indirect.gather [hbm4b:s3+s9], $0x80, s29, s9, $0xb8;
	[tilespmem:$0x10800] =	vst v63  }
0x2d: {  	_ =	swait.ge [sflag:s15], $0x4000  }
0x2e: {  	[sflag:s15] =	ssyncset.done $0x0  }
0x2f: {  	s0 =	rddreg [dreg:$0x5];
	[sflag:s15] =	ssyncadd.s32 $0xFFFFC000  }
0x30: {  	[hbm4b:s0+s2] =	stream.linear.scatter [tilespmem:s11], [sflag:$0x7], $0x4000, $0x38;
	[tilespmem:$0x10800] =	vst v63  }
0x31: {  	_ =	swait.ge [sflag:s13], $0x4000  }
0x32: {  	[sflag:s13] =	ssyncset.done $0x0  }
0x33: {  	[sflag:s13] =	ssyncadd.s32 $0xFFFFC000  }
0x34: {  	[tilespmem:s17], [sflag:$0x1] =	stream.indirect.gather [hbm4b:s3+s9], $0x80, s28, s9, $0xb8;
	[tilespmem:$0x10800] =	vst v63  }
0x35: {  	_ =	swait.ge [sflag:s12], $0x4000  }
0x36: {  	[sflag:s12] =	ssyncset.done $0x0  }
0x37: {  	s0 =	rddreg [dreg:$0x6];
	[sflag:s12] =	ssyncadd.s32 $0xFFFFC000  }
0x38: {  	[hbm4b:s0+s2] =	stream.linear.scatter [tilespmem:s6], [sflag:$0x8], $0x4000, $0x38;
	[tilespmem:$0x10800] =	vst v63  }
0x39: {  	_ =	swait.ge [sflag:s8], $0x4000  }
0x3a: {  	[sflag:s8] =	ssyncset.done $0x0  }
0x3b: {  	[sflag:s8] =	ssyncadd.s32 $0xFFFFC000  }
0x3c: {  	[tilespmem:s14], [sflag:$0x2] =	stream.indirect.gather [hbm4b:s3+s9], $0x80, s26, s9, $0xb8;
	[tilespmem:$0x10800] =	vst v63  }
0x3d: {  	_ =	swait.ge [sflag:s18], $0x4000  }
0x3e: {  	[sflag:s18] =	ssyncset.done $0x0  }
0x3f: {  	s0 =	rddreg [dreg:$0x7];
	[sflag:s18] =	ssyncadd.s32 $0xFFFFC000  }
0x40: {  	[hbm4b:s0+s2] =	stream.linear.scatter [tilespmem:s17], [sflag:$0x5], $0x4000, $0x38;
	[tilespmem:$0x10800] =	vst v63  }
0x41: {  	_ =	swait.ge [sflag:s7], $0x4000  }
0x42: {  	[sflag:s7] =	ssyncset.done $0x0  }
0x43: {  	[sflag:s7] =	ssyncadd.s32 $0xFFFFC000  }
0x44: {  	[tilespmem:s11], [sflag:$0x3] =	stream.indirect.gather [hbm4b:s3+s9], $0x80, s25, s9, $0xb8;
	[tilespmem:$0x10800] =	vst v63  }
0x45: {  	_ =	swait.ge [sflag:s16], $0x4000  }
0x46: {  	[sflag:s16] =	ssyncset.done $0x0  }
0x47: {  	s0 =	rddreg [dreg:$0x8];
	[sflag:s16] =	ssyncadd.s32 $0xFFFFC000  }
0x48: {  	[hbm4b:s0+s2] =	stream.linear.scatter [tilespmem:s14], [sflag:$0x6], $0x4000, $0x38;
	[tilespmem:$0x10800] =	vst v63  }
0x49: {  	_ =	swait.ge [sflag:s10], $0x4000  }
0x4a: {  	[sflag:s10] =	ssyncset.done $0x0  }
0x4b: {  	[sflag:s10] =	ssyncadd.s32 $0xFFFFC000  }
0x4c: {  	[tilespmem:s6], [sflag:$0x4] =	stream.indirect.gather [hbm4b:s3+s9], $0x80, s24, s9, $0xb8;
	[tilespmem:$0x10800] =	vst v63  }
0x4d: {  	_ =	swait.ge [sflag:s15], $0x4000  }
0x4e: {  	[sflag:s15] =	ssyncset.done $0x0  }
0x4f: {  	s0 =	rddreg [dreg:$0x9];
	[sflag:s15] =	ssyncadd.s32 $0xFFFFC000  }
0x50: {  	[hbm4b:s0+s2] =	stream.linear.scatter [tilespmem:s11], [sflag:$0x7], $0x4000, $0x38;
	[tilespmem:$0x10800] =	vst v63  }
0x51: {  	_ =	swait.ge [sflag:s13], $0x4000  }
0x52: {  	[sflag:s13] =	ssyncset.done $0x0  }
0x53: {  	[sflag:s13] =	ssyncadd.s32 $0xFFFFC000  }
0x54: {  	[tilespmem:s17], [sflag:$0x1] =	stream.indirect.gather [hbm4b:s3+s9], $0x80, s23, s9, $0xb8;
	[tilespmem:$0x10800] =	vst v63  }
0x55: {  	_ =	swait.ge [sflag:s12], $0x4000  }
0x56: {  	[sflag:s12] =	ssyncset.done $0x0  }
0x57: {  	s0 =	rddreg [dreg:$0xa];
	[sflag:s12] =	ssyncadd.s32 $0xFFFFC000  }
0x58: {  	[hbm4b:s0+s2] =	stream.linear.scatter [tilespmem:s6], [sflag:$0x8], $0x4000, $0x38;
	[tilespmem:$0x10800] =	vst v63  }
0x59: {  	_ =	swait.ge [sflag:s8], $0x4000  }
0x5a: {  	[sflag:s8] =	ssyncset.done $0x0  }
0x5b: {  	[sflag:s8] =	ssyncadd.s32 $0xFFFFC000  }
0x5c: {  	[tilespmem:s14], [sflag:$0x2] =	stream.indirect.gather [hbm4b:s3+s9], $0x80, s21, s9, $0xb8;
	[tilespmem:$0x10800] =	vst v63  }
0x5d: {  	_ =	swait.ge [sflag:s18], $0x4000  }
0x5e: {  	[sflag:s18] =	ssyncset.done $0x0  }
0x5f: {  	s0 =	rddreg [dreg:$0xb];
	[sflag:s18] =	ssyncadd.s32 $0xFFFFC000  }
0x60: {  	[hbm4b:s0+s2] =	stream.linear.scatter [tilespmem:s17], [sflag:$0x5], $0x4000, $0x38;
	[tilespmem:$0x10800] =	vst v63  }
0x61: {  	_ =	swait.ge [sflag:s7], $0x4000  }
0x62: {  	[sflag:s7] =	ssyncset.done $0x0  }
0x63: {  	[sflag:s7] =	ssyncadd.s32 $0xFFFFC000  }
0x64: {  	[tilespmem:s11], [sflag:$0x3] =	stream.indirect.gather [hbm4b:s3+s9], $0x80, s20, s9, $0xb8;
	[tilespmem:$0x10800] =	vst v63  }
0x65: {  	_ =	swait.ge [sflag:s16], $0x4000  }
0x66: {  	[sflag:s16] =	ssyncset.done $0x0  }
0x67: {  	s0 =	rddreg [dreg:$0xc];
	[sflag:s16] =	ssyncadd.s32 $0xFFFFC000  }
0x68: {  	[hbm4b:s0+s2] =	stream.linear.scatter [tilespmem:s14], [sflag:$0x6], $0x4000, $0x38;
	[tilespmem:$0x10800] =	vst v63  }
0x69: {  	_ =	swait.ge [sflag:s10], $0x4000  }
0x6a: {  	[sflag:s10] =	ssyncset.done $0x0  }
0x6b: {  	[sflag:s10] =	ssyncadd.s32 $0xFFFFC000  }
0x6c: {  	[tilespmem:s6], [sflag:$0x4] =	stream.indirect.gather [hbm4b:s3+s9], $0x80, s19, s9, $0xb8;
	[tilespmem:$0x10800] =	vst v63  }
0x6d: {  	_ =	swait.ge [sflag:s15], $0x4000  }
0x6e: {  	[sflag:s15] =	ssyncset.done $0x0  }
0x6f: {  	[sflag:s15] =	ssyncadd.s32 $0xFFFFC000  }
0x70: {  	[hbm4b:s5+s2] =	stream.linear.scatter [tilespmem:s11], [sflag:$0x7], $0x4000, $0x38;
	[tilespmem:$0x10800] =	vst v63  }
0x71: {  	_ =	swait.ge [sflag:s13], $0x4000  }
0x72: {  	[sflag:s13] =	ssyncset.done $0x0  }
0x73: {  	[sflag:s13] =	ssyncadd.s32 $0xFFFFC000  }
0x74: {  	_ =	swait.ge [sflag:s12], $0x4000  }
0x75: {  	[sflag:s12] =	ssyncset.done $0x0  }
0x76: {  	[sflag:s12] =	ssyncadd.s32 $0xFFFFC000  }
0x77: {  	[hbm4b:s4+s2] =	stream.linear.scatter [tilespmem:s6], [sflag:$0x8], $0x4000, $0x38;
	[tilespmem:$0x10800] =	vst v63  }
0x78: {  	_ =	swait.ge [sflag:s8], $0x4000  }
0x79: {  	[sflag:s8] =	ssyncset.done $0x0  }
0x7a: {  	p1 =	sne.s32 s1, $0x1;
	[sflag:s8] =	ssyncadd.s32 $0xFFFFC000  }
.Ltmp1:
0x7b: {  	_ =	swait.ge [sflag:s7], $0x4000;
	(pc) =	sbr.rel @!p1 .LBB2_3-.Ltmp1, $4  }
0x7c: {  	[sflag:s7] =	ssyncset.done $0x0  }
0x7d: {  	[sflag:s7] =	ssyncadd.s32 $0xFFFFC000  }
0x7e: {  	s1 =	sadd.s32 $0xFFFFFFFF, s1;
	_ =	swait.ge [sflag:s10], $0x4000  }
0x7f: {  	p0 =	por $0x1, $0x1;
	s0 =	rddreg [dreg:$0x3];
	[sflag:s10] =	ssyncset.done $0x0  }
.LBB2_2:
0x80: {  	[sflag:s10] =	ssyncadd.s32 $0xFFFFC000  }
0x81: {  	[tilespmem:s2], [sflag:$0x9] =	stream.linear.gather [hbm4b:s0+s2], $0x600, $0x38;
	[tilespmem:$0x10800] =	vst v63  }
0x82: {  	_ =	swait.ge [sflag:s31], $0x600  }
0x83: {  	[sflag:s31] =	ssyncset.done $0x0  }
0x84: {  	[sflag:s31] =	ssyncadd.s32 $0xFFFFFA00  }
0x85: {  	[tilespmem:s17], [sflag:$0x1] =	stream.indirect.gather [hbm4b:s3+s9], $0x80, s2, s9, $0xb8;
	[tilespmem:$0x10800] =	vst v63  }
0x86: {  	_ = 	snop  }
0x87: {  	[tilespmem:s14], [sflag:$0x2] =	stream.indirect.gather [hbm4b:s3+s9], $0x80, s9, s9, $0xb8;
	[tilespmem:$0x10800] =	vst v63  }
0x88: {  	_ =	swait.ge [sflag:s18], $0x4000  }
0x89: {  	[sflag:s18] =	ssyncset.done $0x0  }
0x8a: {  	[sflag:s18] =	ssyncadd.s32 $0xFFFFC000  }
0x8b: {  	[hbm4b:s22+s2] =	stream.linear.scatter [tilespmem:s17], [sflag:$0x5], $0x4000, $0x38;
	[tilespmem:$0x10800] =	vst v63  }
0x8c: {  	_ = 	snop  }
0x8d: {  	[tilespmem:s11], [sflag:$0x3] =	stream.indirect.gather [hbm4b:s3+s9], $0x80, s30, s9, $0xb8;
	[tilespmem:$0x10800] =	vst v63  }
0x8e: {  	_ =	swait.ge [sflag:s16], $0x4000  }
0x8f: {  	[sflag:s16] =	ssyncset.done $0x0  }
0x90: {  	s0 =	rddreg [dreg:$0x4];
	[sflag:s16] =	ssyncadd.s32 $0xFFFFC000  }
0x91: {  	[hbm4b:s0+s2] =	stream.linear.scatter [tilespmem:s14], [sflag:$0x6], $0x4000, $0x38;
	[tilespmem:$0x10800] =	vst v63  }
0x92: {  	_ = 	snop  }
0x93: {  	[tilespmem:s6], [sflag:$0x4] =	stream.indirect.gather [hbm4b:s3+s9], $0x80, s29, s9, $0xb8;
	[tilespmem:$0x10800] =	vst v63  }
0x94: {  	_ =	swait.ge [sflag:s15], $0x4000  }
0x95: {  	[sflag:s15] =	ssyncset.done $0x0  }
0x96: {  	s0 =	rddreg [dreg:$0x5];
	[sflag:s15] =	ssyncadd.s32 $0xFFFFC000  }
0x97: {  	[hbm4b:s0+s2] =	stream.linear.scatter [tilespmem:s11], [sflag:$0x7], $0x4000, $0x38;
	[tilespmem:$0x10800] =	vst v63  }
0x98: {  	_ =	swait.ge [sflag:s13], $0x4000  }
0x99: {  	[sflag:s13] =	ssyncset.done $0x0  }
0x9a: {  	[sflag:s13] =	ssyncadd.s32 $0xFFFFC000  }
0x9b: {  	[tilespmem:s17], [sflag:$0x1] =	stream.indirect.gather [hbm4b:s3+s9], $0x80, s28, s9, $0xb8;
	[tilespmem:$0x10800] =	vst v63  }
0x9c: {  	_ =	swait.ge [sflag:s12], $0x4000  }
0x9d: {  	[sflag:s12] =	ssyncset.done $0x0  }
0x9e: {  	s0 =	rddreg [dreg:$0x6];
	[sflag:s12] =	ssyncadd.s32 $0xFFFFC000  }
0x9f: {  	[hbm4b:s0+s2] =	stream.linear.scatter [tilespmem:s6], [sflag:$0x8], $0x4000, $0x38;
	[tilespmem:$0x10800] =	vst v63  }
0xa0: {  	_ =	swait.ge [sflag:s8], $0x4000  }
0xa1: {  	[sflag:s8] =	ssyncset.done $0x0  }
0xa2: {  	[sflag:s8] =	ssyncadd.s32 $0xFFFFC000  }
0xa3: {  	[tilespmem:s14], [sflag:$0x2] =	stream.indirect.gather [hbm4b:s3+s9], $0x80, s26, s9, $0xb8;
	[tilespmem:$0x10800] =	vst v63  }
0xa4: {  	_ =	swait.ge [sflag:s18], $0x4000  }
0xa5: {  	[sflag:s18] =	ssyncset.done $0x0  }
0xa6: {  	s0 =	rddreg [dreg:$0x7];
	[sflag:s18] =	ssyncadd.s32 $0xFFFFC000  }
0xa7: {  	[hbm4b:s0+s2] =	stream.linear.scatter [tilespmem:s17], [sflag:$0x5], $0x4000, $0x38;
	[tilespmem:$0x10800] =	vst v63  }
0xa8: {  	_ =	swait.ge [sflag:s7], $0x4000  }
0xa9: {  	[sflag:s7] =	ssyncset.done $0x0  }
0xaa: {  	[sflag:s7] =	ssyncadd.s32 $0xFFFFC000  }
0xab: {  	[tilespmem:s11], [sflag:$0x3] =	stream.indirect.gather [hbm4b:s3+s9], $0x80, s25, s9, $0xb8;
	[tilespmem:$0x10800] =	vst v63  }
0xac: {  	_ =	swait.ge [sflag:s16], $0x4000  }
0xad: {  	[sflag:s16] =	ssyncset.done $0x0  }
0xae: {  	s0 =	rddreg [dreg:$0x8];
	[sflag:s16] =	ssyncadd.s32 $0xFFFFC000  }
0xaf: {  	[hbm4b:s0+s2] =	stream.linear.scatter [tilespmem:s14], [sflag:$0x6], $0x4000, $0x38;
	[tilespmem:$0x10800] =	vst v63  }
0xb0: {  	_ =	swait.ge [sflag:s10], $0x4000  }
0xb1: {  	[sflag:s10] =	ssyncset.done $0x0  }
0xb2: {  	[sflag:s10] =	ssyncadd.s32 $0xFFFFC000  }
0xb3: {  	[tilespmem:s6], [sflag:$0x4] =	stream.indirect.gather [hbm4b:s3+s9], $0x80, s24, s9, $0xb8;
	[tilespmem:$0x10800] =	vst v63  }
0xb4: {  	_ =	swait.ge [sflag:s15], $0x4000  }
0xb5: {  	[sflag:s15] =	ssyncset.done $0x0  }
0xb6: {  	s0 =	rddreg [dreg:$0x9];
	[sflag:s15] =	ssyncadd.s32 $0xFFFFC000  }
0xb7: {  	[hbm4b:s0+s2] =	stream.linear.scatter [tilespmem:s11], [sflag:$0x7], $0x4000, $0x38;
	[tilespmem:$0x10800] =	vst v63  }
0xb8: {  	_ =	swait.ge [sflag:s13], $0x4000  }
0xb9: {  	[sflag:s13] =	ssyncset.done $0x0  }
0xba: {  	[sflag:s13] =	ssyncadd.s32 $0xFFFFC000  }
0xbb: {  	[tilespmem:s17], [sflag:$0x1] =	stream.indirect.gather [hbm4b:s3+s9], $0x80, s23, s9, $0xb8;
	[tilespmem:$0x10800] =	vst v63  }
0xbc: {  	_ =	swait.ge [sflag:s12], $0x4000  }
0xbd: {  	[sflag:s12] =	ssyncset.done $0x0  }
0xbe: {  	s0 =	rddreg [dreg:$0xa];
	[sflag:s12] =	ssyncadd.s32 $0xFFFFC000  }
0xbf: {  	[hbm4b:s0+s2] =	stream.linear.scatter [tilespmem:s6], [sflag:$0x8], $0x4000, $0x38;
	[tilespmem:$0x10800] =	vst v63  }
0xc0: {  	_ =	swait.ge [sflag:s8], $0x4000  }
0xc1: {  	[sflag:s8] =	ssyncset.done $0x0  }
0xc2: {  	[sflag:s8] =	ssyncadd.s32 $0xFFFFC000  }
0xc3: {  	[tilespmem:s14], [sflag:$0x2] =	stream.indirect.gather [hbm4b:s3+s9], $0x80, s21, s9, $0xb8;
	[tilespmem:$0x10800] =	vst v63  }
0xc4: {  	_ =	swait.ge [sflag:s18], $0x4000  }
0xc5: {  	[sflag:s18] =	ssyncset.done $0x0  }
0xc6: {  	s0 =	rddreg [dreg:$0xb];
	[sflag:s18] =	ssyncadd.s32 $0xFFFFC000  }
0xc7: {  	[hbm4b:s0+s2] =	stream.linear.scatter [tilespmem:s17], [sflag:$0x5], $0x4000, $0x38;
	[tilespmem:$0x10800] =	vst v63  }
0xc8: {  	_ =	swait.ge [sflag:s7], $0x4000  }
0xc9: {  	[sflag:s7] =	ssyncset.done $0x0  }
0xca: {  	[sflag:s7] =	ssyncadd.s32 $0xFFFFC000  }
0xcb: {  	[tilespmem:s11], [sflag:$0x3] =	stream.indirect.gather [hbm4b:s3+s9], $0x80, s20, s9, $0xb8;
	[tilespmem:$0x10800] =	vst v63  }
0xcc: {  	_ =	swait.ge [sflag:s16], $0x4000  }
0xcd: {  	[sflag:s16] =	ssyncset.done $0x0  }
0xce: {  	s0 =	rddreg [dreg:$0xc];
	[sflag:s16] =	ssyncadd.s32 $0xFFFFC000  }
0xcf: {  	[hbm4b:s0+s2] =	stream.linear.scatter [tilespmem:s14], [sflag:$0x6], $0x4000, $0x38;
	[tilespmem:$0x10800] =	vst v63  }
0xd0: {  	_ =	swait.ge [sflag:s10], $0x4000  }
0xd1: {  	[sflag:s10] =	ssyncset.done $0x0  }
0xd2: {  	[sflag:s10] =	ssyncadd.s32 $0xFFFFC000  }
0xd3: {  	[tilespmem:s6], [sflag:$0x4] =	stream.indirect.gather [hbm4b:s3+s9], $0x80, s19, s9, $0xb8;
	[tilespmem:$0x10800] =	vst v63  }
0xd4: {  	_ =	swait.ge [sflag:s15], $0x4000  }
0xd5: {  	[sflag:s15] =	ssyncset.done $0x0  }
0xd6: {  	[sflag:s15] =	ssyncadd.s32 $0xFFFFC000  }
0xd7: {  	[hbm4b:s5+s2] =	stream.linear.scatter [tilespmem:s11], [sflag:$0x7], $0x4000, $0x38;
	[tilespmem:$0x10800] =	vst v63  }
0xd8: {  	_ =	swait.ge [sflag:s13], $0x4000  }
0xd9: {  	[sflag:s13] =	ssyncset.done $0x0  }
0xda: {  	[sflag:s13] =	ssyncadd.s32 $0xFFFFC000  }
0xdb: {  	_ =	swait.ge [sflag:s12], $0x4000  }
0xdc: {  	[sflag:s12] =	ssyncset.done $0x0  }
0xdd: {  	[sflag:s12] =	ssyncadd.s32 $0xFFFFC000  }
0xde: {  	[hbm4b:s4+s2] =	stream.linear.scatter [tilespmem:s6], [sflag:$0x8], $0x4000, $0x38;
	[tilespmem:$0x10800] =	vst v63  }
0xdf: {  	_ =	swait.ge [sflag:s8], $0x4000  }
0xe0: {  	[sflag:s8] =	ssyncset.done $0x0  }
0xe1: {  	p1 =	sne.s32 s1, $0x1;
	[sflag:s8] =	ssyncadd.s32 $0xFFFFC000  }
.Ltmp2:
0xe2: {  	_ =	swait.ge [sflag:s7], $0x4000;
	(pc) =	sbr.rel @p1 .LBB2_2-.Ltmp2, $4  }
0xe3: {  	[sflag:s7] =	ssyncset.done $0x0  }
0xe4: {  	[sflag:s7] =	ssyncadd.s32 $0xFFFFC000  }
0xe5: {  	_ =	swait.ge [sflag:s10], $0x4000  }
0xe6: {  	s1 =	sadd.s32 $0xFFFFFFFF, s1;
	s0 =	rddreg [dreg:$0x3];
	[sflag:s10] =	ssyncset.done $0x0  }
.LBB2_3:
0xe7: {  	[sflag:s10] =	ssyncadd.s32 @p0 $0xFFFFC000  }
0xe8: {  	[tilespmem:s2], [sflag:$0x9] =	stream.linear.gather [hbm4b:s0+s2], $0x600, $0x38;
	[tilespmem:$0x10800] =	vst v63  }
0xe9: {  	_ =	swait.ge [sflag:s31], $0x600  }
0xea: {  	[sflag:s31] =	ssyncset.done $0x0  }
0xeb: {  	[sflag:s31] =	ssyncadd.s32 $0xFFFFFA00  }
0xec: {  	[tilespmem:s17], [sflag:$0x1] =	stream.indirect.gather [hbm4b:s3+s9], $0x80, s2, s9, $0xb8;
	[tilespmem:$0x10800] =	vst v63  }
0xed: {  	_ = 	snop  }
0xee: {  	[tilespmem:s14], [sflag:$0x2] =	stream.indirect.gather [hbm4b:s3+s9], $0x80, s9, s9, $0xb8;
	[tilespmem:$0x10800] =	vst v63  }
0xef: {  	_ =	swait.ge [sflag:s18], $0x4000  }
0xf0: {  	[sflag:s18] =	ssyncset.done $0x0  }
0xf1: {  	[sflag:s18] =	ssyncadd.s32 $0xFFFFC000  }
0xf2: {  	[hbm4b:s22+s2] =	stream.linear.scatter [tilespmem:s17], [sflag:$0x5], $0x4000, $0x38;
	[tilespmem:$0x10800] =	vst v63  }
0xf3: {  	_ = 	snop  }
0xf4: {  	[tilespmem:s11], [sflag:$0x3] =	stream.indirect.gather [hbm4b:s3+s9], $0x80, s30, s9, $0xb8;
	[tilespmem:$0x10800] =	vst v63  }
0xf5: {  	_ =	swait.ge [sflag:s16], $0x4000  }
0xf6: {  	[sflag:s16] =	ssyncset.done $0x0  }
0xf7: {  	s30 =	rddreg [dreg:$0x4];
	[sflag:s16] =	ssyncadd.s32 $0xFFFFC000  }
0xf8: {  	[hbm4b:s30+s2] =	stream.linear.scatter [tilespmem:s14], [sflag:$0x6], $0x4000, $0x38;
	[tilespmem:$0x10800] =	vst v63  }
0xf9: {  	_ = 	snop  }
0xfa: {  	[tilespmem:s6], [sflag:$0x4] =	stream.indirect.gather [hbm4b:s3+s9], $0x80, s29, s9, $0xb8;
	[tilespmem:$0x10800] =	vst v63  }
0xfb: {  	_ =	swait.ge [sflag:s15], $0x4000  }
0xfc: {  	[sflag:s15] =	ssyncset.done $0x0  }
0xfd: {  	s31 =	rddreg [dreg:$0x5];
	[sflag:s15] =	ssyncadd.s32 $0xFFFFC000  }
0xfe: {  	[hbm4b:s31+s2] =	stream.linear.scatter [tilespmem:s11], [sflag:$0x7], $0x4000, $0x38;
	[tilespmem:$0x10800] =	vst v63  }
0xff: {  	_ =	swait.ge [sflag:s13], $0x4000  }
0x100: {  	[sflag:s13] =	ssyncset.done $0x0  }
0x101: {  	[sflag:s13] =	ssyncadd.s32 $0xFFFFC000  }
0x102: {  	[tilespmem:s17], [sflag:$0x1] =	stream.indirect.gather [hbm4b:s3+s9], $0x80, s28, s9, $0xb8;
	[tilespmem:$0x10800] =	vst v63  }
0x103: {  	_ =	swait.ge [sflag:s12], $0x4000  }
0x104: {  	[sflag:s12] =	ssyncset.done $0x0  }
0x105: {  	s1 =	rddreg [dreg:$0x6];
	[sflag:s12] =	ssyncadd.s32 $0xFFFFC000  }
0x106: {  	[hbm4b:s1+s2] =	stream.linear.scatter [tilespmem:s6], [sflag:$0x8], $0x4000, $0x38;
	[tilespmem:$0x10800] =	vst v63  }
0x107: {  	_ =	swait.ge [sflag:s8], $0x4000  }
0x108: {  	[sflag:s8] =	ssyncset.done $0x0  }
0x109: {  	[sflag:s8] =	ssyncadd.s32 $0xFFFFC000  }
0x10a: {  	[tilespmem:s14], [sflag:$0x2] =	stream.indirect.gather [hbm4b:s3+s9], $0x80, s26, s9, $0xb8;
	[tilespmem:$0x10800] =	vst v63  }
0x10b: {  	_ =	swait.ge [sflag:s18], $0x4000  }
0x10c: {  	[sflag:s18] =	ssyncset.done $0x0  }
0x10d: {  	s22 =	rddreg [dreg:$0x7];
	[sflag:s18] =	ssyncadd.s32 $0xFFFFC000  }
0x10e: {  	[hbm4b:s22+s2] =	stream.linear.scatter [tilespmem:s17], [sflag:$0x5], $0x4000, $0x38;
	[tilespmem:$0x10800] =	vst v63  }
0x10f: {  	_ =	swait.ge [sflag:s7], $0x4000  }
0x110: {  	[sflag:s7] =	ssyncset.done $0x0  }
0x111: {  	[sflag:s7] =	ssyncadd.s32 $0xFFFFC000  }
0x112: {  	[tilespmem:s11], [sflag:$0x3] =	stream.indirect.gather [hbm4b:s3+s9], $0x80, s25, s9, $0xb8;
	[tilespmem:$0x10800] =	vst v63  }
0x113: {  	_ =	swait.ge [sflag:s16], $0x4000  }
0x114: {  	[sflag:s16] =	ssyncset.done $0x0  }
0x115: {  	s25 =	rddreg [dreg:$0x8];
	[sflag:s16] =	ssyncadd.s32 $0xFFFFC000  }
0x116: {  	[hbm4b:s25+s2] =	stream.linear.scatter [tilespmem:s14], [sflag:$0x6], $0x4000, $0x38;
	[tilespmem:$0x10800] =	vst v63  }
0x117: {  	_ =	swait.ge [sflag:s10], $0x4000  }
0x118: {  	[sflag:s10] =	ssyncset.done $0x0  }
0x119: {  	[sflag:s10] =	ssyncadd.s32 $0xFFFFC000  }
0x11a: {  	[tilespmem:s6], [sflag:$0x4] =	stream.indirect.gather [hbm4b:s3+s9], $0x80, s24, s9, $0xb8;
	[tilespmem:$0x10800] =	vst v63  }
0x11b: {  	_ =	swait.ge [sflag:s15], $0x4000  }
0x11c: {  	[sflag:s15] =	ssyncset.done $0x0  }
0x11d: {  	s26 =	rddreg [dreg:$0x9];
	[sflag:s15] =	ssyncadd.s32 $0xFFFFC000  }
0x11e: {  	[hbm4b:s26+s2] =	stream.linear.scatter [tilespmem:s11], [sflag:$0x7], $0x4000, $0x38;
	[tilespmem:$0x10800] =	vst v63  }
0x11f: {  	_ =	swait.ge [sflag:s13], $0x4000  }
0x120: {  	[sflag:s13] =	ssyncset.done $0x0  }
0x121: {  	[sflag:s13] =	ssyncadd.s32 $0xFFFFC000  }
0x122: {  	[tilespmem:s17], [sflag:$0x1] =	stream.indirect.gather [hbm4b:s3+s9], $0x80, s23, s9, $0xb8;
	[tilespmem:$0x10800] =	vst v63  }
0x123: {  	_ =	swait.ge [sflag:s12], $0x4000  }
0x124: {  	[sflag:s12] =	ssyncset.done $0x0  }
0x125: {  	s28 =	rddreg [dreg:$0xa];
	[sflag:s12] =	ssyncadd.s32 $0xFFFFC000  }
0x126: {  	[hbm4b:s28+s2] =	stream.linear.scatter [tilespmem:s6], [sflag:$0x8], $0x4000, $0x38;
	[tilespmem:$0x10800] =	vst v63  }
0x127: {  	_ =	swait.ge [sflag:s8], $0x4000  }
0x128: {  	[sflag:s8] =	ssyncset.done $0x0  }
0x129: {  	[sflag:s8] =	ssyncadd.s32 $0xFFFFC000  }
0x12a: {  	[tilespmem:s14], [sflag:$0x2] =	stream.indirect.gather [hbm4b:s3+s9], $0x80, s21, s9, $0xb8;
	[tilespmem:$0x10800] =	vst v63  }
0x12b: {  	_ =	swait.ge [sflag:s18], $0x4000  }
0x12c: {  	[sflag:s18] =	ssyncset.done $0x0  }
0x12d: {  	s29 =	rddreg [dreg:$0xb];
	[sflag:s18] =	ssyncadd.s32 $0xFFFFC000  }
0x12e: {  	[hbm4b:s29+s2] =	stream.linear.scatter [tilespmem:s17], [sflag:$0x5], $0x4000, $0x38;
	[tilespmem:$0x10800] =	vst v63  }
0x12f: {  	_ =	swait.ge [sflag:s7], $0x4000  }
0x130: {  	[sflag:s7] =	ssyncset.done $0x0  }
0x131: {  	[sflag:s7] =	ssyncadd.s32 $0xFFFFC000  }
0x132: {  	[tilespmem:s11], [sflag:$0x3] =	stream.indirect.gather [hbm4b:s3+s9], $0x80, s20, s9, $0xb8;
	[tilespmem:$0x10800] =	vst v63  }
0x133: {  	_ =	swait.ge [sflag:s16], $0x4000  }
0x134: {  	[sflag:s16] =	ssyncset.done $0x0  }
0x135: {  	s30 =	rddreg [dreg:$0xc];
	[sflag:s16] =	ssyncadd.s32 $0xFFFFC000  }
0x136: {  	[hbm4b:s30+s2] =	stream.linear.scatter [tilespmem:s14], [sflag:$0x6], $0x4000, $0x38;
	[tilespmem:$0x10800] =	vst v63  }
0x137: {  	_ =	swait.ge [sflag:s10], $0x4000  }
0x138: {  	[sflag:s10] =	ssyncset.done $0x0  }
0x139: {  	[sflag:s10] =	ssyncadd.s32 $0xFFFFC000  }
0x13a: {  	[tilespmem:s6], [sflag:$0x4] =	stream.indirect.gather [hbm4b:s3+s9], $0x80, s19, s9, $0xb8;
	[tilespmem:$0x10800] =	vst v63  }
0x13b: {  	_ =	swait.ge [sflag:s15], $0x4000  }
0x13c: {  	[sflag:s15] =	ssyncset.done $0x0  }
0x13d: {  	[sflag:s15] =	ssyncadd.s32 $0xFFFFC000  }
0x13e: {  	[hbm4b:s5+s2] =	stream.linear.scatter [tilespmem:s11], [sflag:$0x7], $0x4000, $0x38;
	[tilespmem:$0x10800] =	vst v63  }
0x13f: {  	_ =	swait.ge [sflag:s13], $0x4000  }
0x140: {  	[sflag:s13] =	ssyncset.done $0x0  }
0x141: {  	[sflag:s13] =	ssyncadd.s32 $0xFFFFC000  }
0x142: {  	_ =	swait.ge [sflag:s12], $0x4000  }
0x143: {  	[sflag:s12] =	ssyncset.done $0x0  }
0x144: {  	[sflag:s12] =	ssyncadd.s32 $0xFFFFC000  }
0x145: {  	[hbm4b:s4+s2] =	stream.linear.scatter [tilespmem:s6], [sflag:$0x8], $0x4000, $0x38;
	[tilespmem:$0x10800] =	vst v63  }
0x146: {  	_ =	swait.ge [sflag:s8], $0x4000  }
0x147: {  	[sflag:s8] =	ssyncset.done $0x0  }
0x148: {  	[sflag:s8] =	ssyncadd.s32 $0xFFFFC000  }
0x149: {  	_ =	swait.ge [sflag:s7], $0x4000  }
0x14a: {  	[sflag:s7] =	ssyncset.done $0x0  }
0x14b: {  	[sflag:s7] =	ssyncadd.s32 $0xFFFFC000  }
0x14c: {  	_ =	swait.ge [sflag:s10], $0x4000  }
0x14d: {  	[sflag:s10] =	ssyncset.done $0x0  }
0x14e: {  	[sflag:s10] =	ssyncadd.s32 $0xFFFFC000  }
0x14f: {  	_ =	sfence.sel $0x180000  }
0x150: {  	[bflag:$0x0] =	sbarrier.arrive $0xFFFF  }
0x151: {  	_ =	strace $0x90000047  }
0x152: {  	s31 =	stileid.u32;
	[bflag:$0x2] =	sbarrier.arrive $0xFFFF  }
0x153: {  	p0 =	sne.s32 s31, $0x0;
	s0 =	rddreg [dreg:$0x2]  }
0x154: {  	s0 =	sadd.s32 @!p0 $0x100000, s0  }
0x155: {  	[sflag:s0] =	ssyncadd.tile.s32 @!p0 $0x1;
	_ =	shalt  }
.Lfunc_end2:
_tile_overlayer_lowered:
.L_overlay_start_2:
0x156: {  	(tag) =	ssettag $0x2  }
0x157: {  	s0 =	rddreg [dreg:$0x0];
	s2 =	stileid.u32  }
0x158: {  	s1 =	rddreg [dreg:$0x1];
	p0 =	sne.s32 s2, $0x0  }
0x159: {  	s3 =	rddreg [dreg:$0x2];
	[bflag:$0x3] =	sbarrier.arrive $0xFFFF;
	s2 =	simm.s32 @!p0 $0x1C09  }
0x15a: {  	[timem:s3], [sflag:s2] =	dma.local @!p0 [hbm:s0], s1  }
0x15b: {  	s0 =	simm.s32 @!p0 $0x9  }
0x15c: {  	_ =	swait.ge @!p0 [sflag:s0], s1  }
0x15d: {  	s1 =	ssub.s32 @!p0 $0x0, s1;
	[sflag:s0] =	ssyncset.done @!p0 $0x0  }
0x15e: {  	[sflag:s0] =	ssyncadd.s32 @!p0 s1  }
0x15f: {  	[bflag:$0x3] =	sbarrier.arrive $0xFFFF  }
0x160: {  	_ =	shalt  }

</sc_bundles>
